<compile_context>
chip_gen: v7x
topology: tpu7x:2x2x1
jax: 0.10.2.dev20260603
libtpu: 0.0.44.dev20260713+nightly
codegen_flags: <defaults>
</compile_context>

<pallas_src>
import functools
import math

import jax
import jax.numpy as jnp
from jax import lax
from jax.experimental import pallas as pl
from jax.experimental.pallas import tpu as pltpu
from jax.experimental.pallas import tpu_sc as plsc

N_ATOMS = 10000
HIDDEN = 128
NFILT = 128
NINT = 6
NGAUSS = 50
CUTOFF = 4.7
MAXNB = 32
LOG2 = math.log(2.0)

BR = 256
NBLK = (N_ATOMS + BR - 1) // BR
NPAD = NBLK * BR
EPAD = NPAD * MAXNB
CUT2 = CUTOFF * CUTOFF
BIGV = 1e30
FARPOS = 1.0e6

NC = 2
NS = 16
NW = NC * NS
RPW = NPAD // NW
NCHUNK = NPAD // 16
CAND = 96


def _ssp(x):
    return jnp.maximum(x, 0.0) + jnp.log1p(jnp.exp(-jnp.abs(x))) - LOG2



def _d2_body(pr_ref, prs_ref, pct_ref, csq_ref, out_ref):
    i = pl.program_id(0)
    g = jnp.dot(pr_ref[...], pct_ref[...], preferred_element_type=jnp.float32)
    d2 = prs_ref[...] + csq_ref[...] - 2.0 * g
    rowg = jax.lax.broadcasted_iota(jnp.int32, (BR, NPAD), 0) + i * BR
    colg = jax.lax.broadcasted_iota(jnp.int32, (BR, NPAD), 1)
    bad = (rowg == colg) | (d2 > CUT2)
    out_ref[...] = jnp.where(bad, BIGV, d2)


def _d2mask(posp, prs, pct, csq):
    return pl.pallas_call(
        _d2_body,
        grid=(NBLK,),
        in_specs=[
            pl.BlockSpec((BR, 8), lambda i: (i, 0)),
            pl.BlockSpec((BR, 1), lambda i: (i, 0)),
            pl.BlockSpec((8, NPAD), lambda i: (0, 0)),
            pl.BlockSpec((1, NPAD), lambda i: (0, 0)),
        ],
        out_specs=pl.BlockSpec((BR, NPAD), lambda i: (i, 0)),
        out_shape=jax.ShapeDtypeStruct((NPAD, NPAD), jnp.float32),
    )(posp, prs, pct, csq)



_sc_mesh = plsc.VectorSubcoreMesh(core_axis_name="c", subcore_axis_name="s")


@functools.partial(
    pl.kernel,
    mesh=_sc_mesh,
    compiler_params=pltpu.CompilerParams(needs_layout_passes=False),
    out_type=[
        jax.ShapeDtypeStruct((NPAD, MAXNB), jnp.float32),
        jax.ShapeDtypeStruct((NPAD, MAXNB), jnp.int32),
    ],
    scratch_types=[
        pltpu.VMEM((NPAD,), jnp.float32),
        pltpu.VMEM((CAND,), jnp.float32),
        pltpu.VMEM((CAND,), jnp.int32),
        pltpu.VMEM((MAXNB,), jnp.float32),
        pltpu.VMEM((MAXNB,), jnp.int32),
    ],
)
def _select32(d_hbm, outd_hbm, outi_hbm, row_v, cd_v, ci_v, od_v, oi_v):
    wid = lax.axis_index("s") * NC + lax.axis_index("c")
    base = wid * RPW
    nv = CAND // 16

    for k0 in range(CAND // 16):
        ci_v[pl.ds(k0 * 16, 16)] = jnp.zeros((16,), jnp.int32)

    def row_body(r, carry):
        pltpu.sync_copy(d_hbm.at[base + r], row_v)
        for k in range(nv):
            cd_v[pl.ds(k * 16, 16)] = jnp.full((16,), BIGV, jnp.float32)

        def chunk_body(c, cnt):
            v = row_v[pl.ds(c * 16, 16)]
            m = v < BIGV
            idx = lax.iota(jnp.int32, 16) + c * 16
            pref = jnp.cumsum(m.astype(jnp.int32))
            ppos = cnt + pref - 1
            plsc.store_scatter(cd_v, [ppos], v, mask=m)
            plsc.store_scatter(ci_v, [ppos], idx, mask=m)
            return cnt + pref[15]

        lax.fori_loop(0, NCHUNK, chunk_body, 0)

        def ext16(acc, _k0):
            def b(k, carry):
                acc_d, acc_i = carry
                vals = [cd_v[pl.ds(j * 16, 16)] for j in range(nv)]
                vm = vals[0]
                for j in range(1, nv):
                    vm = jnp.minimum(vm, vals[j])
                mval = jnp.min(vm)
                imin = jnp.int32(2 ** 30)
                for j in range(nv):
                    cand = jnp.where(vals[j] == mval, ci_v[pl.ds(j * 16, 16)],
                                     jnp.int32(2 ** 30))
                    imin = jnp.minimum(imin, jnp.min(cand))
                for j in range(nv):
                    zap = (vals[j] == mval) & (
                        ci_v[pl.ds(j * 16, 16)] == imin)
                    cd_v[pl.ds(j * 16, 16)] = jnp.where(zap, BIGV, vals[j])
                sel = lax.iota(jnp.int32, 16) == k
                acc_d = jnp.where(sel, mval, acc_d)
                acc_i = jnp.where(sel, imin, acc_i)
                return acc_d, acc_i
            return lax.fori_loop(0, 16, b, acc)

        zf = jnp.zeros((16,), jnp.float32)
        zi = jnp.zeros((16,), jnp.int32)
        d0, i0 = ext16((zf, zi), 0)
        d1, i1 = ext16((zf, zi), 1)
        od_v[pl.ds(0, 16)] = d0
        od_v[pl.ds(16, 16)] = d1
        oi_v[pl.ds(0, 16)] = i0
        oi_v[pl.ds(16, 16)] = i1
        pltpu.sync_copy(od_v, outd_hbm.at[base + r])
        pltpu.sync_copy(oi_v, outi_hbm.at[base + r])
        return carry

    lax.fori_loop(0, RPW, row_body, 0)



def _block_body(d2_ref, xlg_ref, h_ref,
                bw1_ref, bb1_ref, bw2_ref, bb2_ref,
                cw2_ref, cb2_ref, lw_ref, lb_ref, out_ref):
    x = d2_ref[...]
    nr = BR * MAXNB // 128
    xb = jnp.broadcast_to(x.reshape(nr, 1, 128),
                          (nr, 128, 128)).reshape(BR * MAXNB, 128)
    lane = jax.lax.broadcasted_iota(jnp.int32, (BR * MAXNB, 128), 1)
    sub = jax.lax.broadcasted_iota(jnp.int32, (BR * MAXNB, 128), 0) % 128
    d2col = jnp.sum(jnp.where(lane == sub, xb, 0.0), axis=1, keepdims=True)
    d = jnp.sqrt(d2col)
    offset = jax.lax.broadcasted_iota(
        jnp.int32, (1, NGAUSS), 1).astype(jnp.float32) * (CUTOFF / (NGAUSS - 1))
    coeff = -0.5 / (CUTOFF / (NGAUSS - 1)) ** 2
    ea = jnp.exp(coeff * (d - offset) ** 2)
    a = _ssp(jnp.dot(ea, bw1_ref[...], preferred_element_type=jnp.float32)
             + bb1_ref[...])
    w = jnp.dot(a, bw2_ref[...], preferred_element_type=jnp.float32) \
        + bb2_ref[...]
    cutmask = (d <= CUTOFF).astype(jnp.float32)
    c = 0.5 * (jnp.cos(d * (math.pi / CUTOFF)) + 1.0) * cutmask
    msg = xlg_ref[...].astype(jnp.float32) * (w * c)
    agg = jnp.sum(msg.reshape(BR, MAXNB, NFILT), axis=1)
    v = _ssp(jnp.dot(agg, cw2_ref[...], preferred_element_type=jnp.float32)
             + cb2_ref[...])
    out_ref[...] = h_ref[...] + jnp.dot(
        v, lw_ref[...], preferred_element_type=jnp.float32) + lb_ref[...]


def _full2d(shape):
    return pl.BlockSpec(shape, lambda i: (0, 0))


def _interaction_block(h, d2e, xlg, bw1, bb1, bw2, bb2, cw2, cb2, lw, lb):
    return pl.pallas_call(
        _block_body,
        grid=(NBLK,),
        in_specs=[
            pl.BlockSpec((BR * MAXNB // 128, 128), lambda i: (i, 0)),
            pl.BlockSpec((BR * MAXNB, NFILT), lambda i: (i, 0)),
            pl.BlockSpec((BR, HIDDEN), lambda i: (i, 0)),
            _full2d((NGAUSS, NFILT)),
            pl.BlockSpec((NFILT,), lambda i: (0,)),
            _full2d((NFILT, NFILT)),
            pl.BlockSpec((NFILT,), lambda i: (0,)),
            _full2d((NFILT, HIDDEN)),
            pl.BlockSpec((HIDDEN,), lambda i: (0,)),
            _full2d((HIDDEN, HIDDEN)),
            pl.BlockSpec((HIDDEN,), lambda i: (0,)),
        ],
        out_specs=pl.BlockSpec((BR, HIDDEN), lambda i: (i, 0)),
        out_shape=jax.ShapeDtypeStruct((NPAD, HIDDEN), jnp.float32),
    )(d2e, xlg, h, bw1, bb1, bw2, bb2, cw2, cb2, lw, lb)



def kernel(z, pos, emb, mlp_w1, mlp_b1, mlp_w2, mlp_b2, cfc_w1, cfc_w2,
           cfc_b2, lin_w, lin_b, out_w1, out_b1, out_w2, out_b2):
    pad = NPAD - N_ATOMS
    posp = jnp.concatenate(
        [pos, jnp.full((pad, 3), FARPOS, jnp.float32)], axis=0)
    posp = jnp.pad(posp, ((0, 0), (0, 5)))
    sq = jnp.sum(posp * posp, axis=1)
    d_mat = _d2mask(posp, sq[:, None], posp.T, sq[None, :])
    nd2, nidx = _select32(d_mat)
    d2e = nd2.reshape(EPAD // 128, 128)
    src_flat = nidx.reshape(-1)
    h_p = jnp.pad(emb[z], ((0, pad), (0, 0)))
    for i in range(NINT):
        xl = h_p @ cfc_w1[i]
        xlg = xl.astype(jnp.bfloat16)[src_flat]
        h_p = _interaction_block(h_p, d2e, xlg, mlp_w1[i], mlp_b1[i],
                                 mlp_w2[i], mlp_b2[i], cfc_w2[i], cfc_b2[i],
                                 lin_w[i], lin_b[i])
    h = h_p[:N_ATOMS]
    h = _ssp(h @ out_w1 + out_b1)
    h = h @ out_w2 + out_b2
    return jnp.sum(h, axis=0)

# --- scband reference (transcript-rebuilt; emitter-appended) ---
"""Pipeline reference for scband-model-80513456931014 (READ-ONLY COPY).

The authoritative reference and input builder live on the scoring server;
editing this copy changes nothing except your own understanding.
"""

import jax, jax.numpy as jnp
import numpy as np
import math

N_ATOMS = 10000
HIDDEN = 128
NFILT = 128
NINT = 6
NGAUSS = 50
CUTOFF = 4.7
MAXNB = 32
CHUNK = 1000
BOX = 51.5  # box side so that ~32 neighbors fall within cutoff 4.7


def _ssp(x):
    # shifted softplus, as in SchNet
    return jnp.logaddexp(x, 0.0) - math.log(2.0)


def _radius_graph(pos):
    # radius_graph(pos, r=CUTOFF, max_num_neighbors=32) equivalent:
    # for each node take its 32 nearest neighbors, mask those beyond cutoff.
    N = pos.shape[0]
    d_l, i_l = [], []
    for s in range(0, N, CHUNK):
        p = pos[s:s + CHUNK]
        def chunk_fn(p_, pos_, s=s):
            d2 = jnp.sum((p_[:, None, :] - pos_[None, :, :]) ** 2, axis=-1)
            rows = jnp.arange(p_.shape[0])
            d2 = d2.at[rows, s + rows].set(jnp.inf)  # exclude self-loops
            vals, idx = jax.lax.top_k(-d2, MAXNB)
            return jnp.sqrt(jnp.maximum(-vals, 1e-12)), idx
        d, idx = jax.checkpoint(chunk_fn)(p, pos)
        d_l.append(d)
        i_l.append(idx)
    dist = jnp.concatenate(d_l, 0).reshape(-1)
    src = jnp.concatenate(i_l, 0).reshape(-1)
    dst = jnp.repeat(jnp.arange(N), MAXNB)
    mask = (dist <= CUTOFF).astype(pos.dtype)
    return src, dst, dist, mask


def _block_fn(h, edge_attr, C, bw1, bb1, bw2, bb2, cw1, cw2, cb2, lw, lb, src, dst):
    # InteractionBlock: CFConv -> ssp -> Linear, residual added by caller
    W = _ssp(edge_attr @ bw1 + bb1) @ bw2 + bb2      # filter-generating MLP
    W = W * C[:, None]                                # cosine cutoff (+radius mask)
    xl = h @ cw1                                      # CFConv.lin1 (no bias)
    msg = xl[src] * W                                 # gather + modulate
    agg = jnp.zeros((h.shape[0], NFILT), h.dtype).at[dst].add(msg)  # scatter-add
    v = _ssp(agg @ cw2 + cb2)                         # CFConv.lin2 + act
    return h + (v @ lw + lb)                          # block lin + residual


def _schnet(z, pos, emb, mlp_w1, mlp_b1, mlp_w2, mlp_b2, cfc_w1, cfc_w2, cfc_b2, lin_w, lin_b, out_w1, out_b1, out_w2, out_b2):
    src, dst, dist, mask = _radius_graph(pos)
    offset = jnp.linspace(0.0, CUTOFF, NGAUSS)
    coeff = -0.5 / (offset[1] - offset[0]) ** 2
    edge_attr = jnp.exp(coeff * (dist[:, None] - offset[None, :]) ** 2)  # GaussianSmearing
    C = 0.5 * (jnp.cos(dist * math.pi / CUTOFF) + 1.0) * mask
    h = emb[z]
    block_ck = jax.checkpoint(_block_fn)
    for i in range(NINT):
        h = block_ck(h, edge_attr, C, mlp_w1[i], mlp_b1[i], mlp_w2[i], mlp_b2[i], cfc_w1[i], cfc_w2[i], cfc_b2[i], lin_w[i], lin_b[i], src, dst)
    h = _ssp(h @ out_w1 + out_b1)
    h = h @ out_w2 + out_b2
    return jnp.sum(h, axis=0)  # sum readout over single graph -> shape (1,)


def setup_inputs(seed: int = 0):
    key = jax.random.key(seed)
    ks = jax.random.split(key, 12)
    z = jax.random.randint(ks[0], (N_ATOMS,), 0, 100, dtype=jnp.int32)
    pos = jax.random.uniform(ks[1], (N_ATOMS, 3), dtype=jnp.float32) * BOX
    s = 0.06
    return {
        'z': z,
        'pos': pos,
        'emb': jax.random.normal(ks[2], (100, HIDDEN), jnp.float32) * s,
        'mlp_w1': jax.random.normal(ks[3], (NINT, NGAUSS, NFILT), jnp.float32) * s,
        'mlp_b1': jnp.zeros((NINT, NFILT), jnp.float32),
        'mlp_w2': jax.random.normal(ks[4], (NINT, NFILT, NFILT), jnp.float32) * s,
        'mlp_b2': jnp.zeros((NINT, NFILT), jnp.float32),
        'cfc_w1': jax.random.normal(ks[5], (NINT, HIDDEN, NFILT), jnp.float32) * s,
        'cfc_w2': jax.random.normal(ks[6], (NINT, NFILT, HIDDEN), jnp.float32) * s,
        'cfc_b2': jnp.zeros((NINT, HIDDEN), jnp.float32),
        'lin_w': jax.random.normal(ks[7], (NINT, HIDDEN, HIDDEN), jnp.float32) * s,
        'lin_b': jnp.zeros((NINT, HIDDEN), jnp.float32),
        'out_w1': jax.random.normal(ks[8], (HIDDEN, HIDDEN // 2), jnp.float32) * s,
        'out_b1': jnp.zeros((HIDDEN // 2,), jnp.float32),
        'out_w2': jax.random.normal(ks[9], (HIDDEN // 2, 1), jnp.float32) * s,
        'out_b2': jnp.zeros((1,), jnp.float32),
    }


def reference(z, pos, emb, mlp_w1, mlp_b1, mlp_w2, mlp_b2, cfc_w1, cfc_w2, cfc_b2, lin_w, lin_b, out_w1, out_b1, out_w2, out_b2):
    return _schnet(z, pos, emb, mlp_w1, mlp_b1, mlp_w2, mlp_b2, cfc_w1, cfc_w2, cfc_b2, lin_w, lin_b, out_w1, out_b1, out_w2, out_b2)

if __name__ == "__main__":
    import jax
    _d = setup_inputs()
    print(jax.jit(kernel)(*tuple(_d.values())))

</pallas_src>

<mosaic_0001>
#map = affine_map<(d0, d1) -> (0, 0)>
module attributes {stable_mosaic.version = 14 : i64} {
  func.func @_select32(%arg0: i32, %arg1: i32, %arg2: memref<10240x10240xf32, #tpu.memory_space<hbm>>, %arg3: memref<10240x32xf32, #tpu.memory_space<hbm>>, %arg4: memref<10240x32xi32, #tpu.memory_space<hbm>>, %arg5: memref<10240xf32, #tpu.memory_space<vmem>>, %arg6: memref<96xf32, #tpu.memory_space<vmem>>, %arg7: memref<96xi32, #tpu.memory_space<vmem>>, %arg8: memref<32xf32, #tpu.memory_space<vmem>>, %arg9: memref<32xi32, #tpu.memory_space<vmem>>) attributes {dimension_semantics = [#tpu.dimension_semantics<core_parallel>, #tpu.dimension_semantics<subcore_parallel>], iteration_bounds = array<i64: 2, 16>, scalar_prefetch = 0 : i64, scratch_operands = 5 : i64, tpu.core_type = #tpu.core_type<sc_vector_subcore>, window_params = [{transform_indices = #map}, {transform_indices = #map}, {transform_indices = #map}]} {
    %mul3A = arith.constant 2 : i32
    %mul3A_0 = arith.muli %arg1, %mul3A : i32
    %add3A = arith.addi %mul3A_0, %arg0 : i32
    %mul3A_1 = arith.constant 320 : i32
    %mul3A_2 = arith.muli %add3A, %mul3A_1 : i32
    %broadcast_in_dim3A = arith.constant 0 : i32
    %broadcast_in_dim3A_3 = vector.broadcast %broadcast_in_dim3A : i32 to vector<16xi32>
    %swap3A = arith.constant 0 : index
    %swap3A_4 = tpu.vector_load %arg7[%swap3A] {strides = array<i32>} : memref<96xi32, #tpu.memory_space<vmem>>, vector<16xi32>,
    tpu.vector_store %arg7[%swap3A], %broadcast_in_dim3A_3 {strides = array<i32>} : memref<96xi32, #tpu.memory_space<vmem>>, vector<16xi32>,
    %broadcast_in_dim3A_5 = arith.constant 0 : i32
    %broadcast_in_dim3A_6 = vector.broadcast %broadcast_in_dim3A_5 : i32 to vector<16xi32>
    %swap3A_7 = arith.constant 16 : index
    %swap3A_8 = tpu.vector_load %arg7[%swap3A_7] {strides = array<i32>} : memref<96xi32, #tpu.memory_space<vmem>>, vector<16xi32>,
    tpu.vector_store %arg7[%swap3A_7], %broadcast_in_dim3A_6 {strides = array<i32>} : memref<96xi32, #tpu.memory_space<vmem>>, vector<16xi32>,
    %broadcast_in_dim3A_9 = arith.constant 0 : i32
    %broadcast_in_dim3A_10 = vector.broadcast %broadcast_in_dim3A_9 : i32 to vector<16xi32>
    %swap3A_11 = arith.constant 32 : index
    %swap3A_12 = tpu.vector_load %arg7[%swap3A_11] {strides = array<i32>} : memref<96xi32, #tpu.memory_space<vmem>>, vector<16xi32>,
    tpu.vector_store %arg7[%swap3A_11], %broadcast_in_dim3A_10 {strides = array<i32>} : memref<96xi32, #tpu.memory_space<vmem>>, vector<16xi32>,
    %broadcast_in_dim3A_13 = arith.constant 0 : i32
    %broadcast_in_dim3A_14 = vector.broadcast %broadcast_in_dim3A_13 : i32 to vector<16xi32>
    %swap3A_15 = arith.constant 48 : index
    %swap3A_16 = tpu.vector_load %arg7[%swap3A_15] {strides = array<i32>} : memref<96xi32, #tpu.memory_space<vmem>>, vector<16xi32>,
    tpu.vector_store %arg7[%swap3A_15], %broadcast_in_dim3A_14 {strides = array<i32>} : memref<96xi32, #tpu.memory_space<vmem>>, vector<16xi32>,
    %broadcast_in_dim3A_17 = arith.constant 0 : i32
    %broadcast_in_dim3A_18 = vector.broadcast %broadcast_in_dim3A_17 : i32 to vector<16xi32>
    %swap3A_19 = arith.constant 64 : index
    %swap3A_20 = tpu.vector_load %arg7[%swap3A_19] {strides = array<i32>} : memref<96xi32, #tpu.memory_space<vmem>>, vector<16xi32>,
    tpu.vector_store %arg7[%swap3A_19], %broadcast_in_dim3A_18 {strides = array<i32>} : memref<96xi32, #tpu.memory_space<vmem>>, vector<16xi32>,
    %broadcast_in_dim3A_21 = arith.constant 0 : i32
    %broadcast_in_dim3A_22 = vector.broadcast %broadcast_in_dim3A_21 : i32 to vector<16xi32>
    %swap3A_23 = arith.constant 80 : index
    %swap3A_24 = tpu.vector_load %arg7[%swap3A_23] {strides = array<i32>} : memref<96xi32, #tpu.memory_space<vmem>>, vector<16xi32>,
    tpu.vector_store %arg7[%swap3A_23], %broadcast_in_dim3A_22 {strides = array<i32>} : memref<96xi32, #tpu.memory_space<vmem>>, vector<16xi32>,
    %scan3A = arith.constant 0 : i32
    %scan3A_25 = arith.constant 0 : i32
    %scan3A_26 = arith.constant 320 : i32
    %scan3A_27 = arith.addi %scan3A_25, %scan3A_26 : i32
    %scan3A_28 = arith.constant 1 : i32
    scf.for %scan3A_30 = %scan3A_25 to %scan3A_27 step %scan3A_28  : i32 {
      %add3A_31 = arith.addi %mul3A_2, %scan3A_30 : i32
      "tpu.region"() ({
        %run_scoped3A = tpu.sem_alloc : memref<!tpu.dma_semaphore, #tpu.memory_space<semaphore_mem>>
        %dma_start3A = arith.constant 0 : i32
        %dma_start3A_89 = tpu.memref_slice %arg2[%add3A_31, %dma_start3A] : memref<10240x10240xf32, #tpu.memory_space<hbm>> -> memref<1x10240xf32, #tpu.memory_space<hbm>>
        %dma_start3A_90 = tpu.memref_squeeze %dma_start3A_89 : memref<1x10240xf32, #tpu.memory_space<hbm>> -> memref<10240xf32, #tpu.memory_space<hbm>>
        %dma_start3A_91 = arith.constant 0 : i32
        %dma_start3A_92 = tpu.memref_slice %arg2[%add3A_31, %dma_start3A_91] : memref<10240x10240xf32, #tpu.memory_space<hbm>> -> memref<1x10240xf32, #tpu.memory_space<hbm>>
        %dma_start3A_93 = tpu.memref_squeeze %dma_start3A_92 : memref<1x10240xf32, #tpu.memory_space<hbm>> -> memref<10240xf32, #tpu.memory_space<hbm>>
        tpu.enqueue_dma source(%dma_start3A_93 : memref<10240xf32, #tpu.memory_space<hbm>>) target(%arg5 : memref<10240xf32, #tpu.memory_space<vmem>>) target_semaphore(%run_scoped3A : memref<!tpu.dma_semaphore, #tpu.memory_space<semaphore_mem>>)
        %dma_wait3A = arith.constant 0 : i32
        %dma_wait3A_94 = tpu.memref_slice %arg2[%add3A_31, %dma_wait3A] : memref<10240x10240xf32, #tpu.memory_space<hbm>> -> memref<1x10240xf32, #tpu.memory_space<hbm>>
        %dma_wait3A_95 = tpu.memref_squeeze %dma_wait3A_94 : memref<1x10240xf32, #tpu.memory_space<hbm>> -> memref<10240xf32, #tpu.memory_space<hbm>>
        %dma_wait3A_96 = arith.constant 0 : i32
        %dma_wait3A_97 = tpu.memref_slice %arg2[%add3A_31, %dma_wait3A_96] : memref<10240x10240xf32, #tpu.memory_space<hbm>> -> memref<1x10240xf32, #tpu.memory_space<hbm>>
        %dma_wait3A_98 = tpu.memref_squeeze %dma_wait3A_97 : memref<1x10240xf32, #tpu.memory_space<hbm>> -> memref<10240xf32, #tpu.memory_space<hbm>>
        tpu.wait_dma2 semaphore(%run_scoped3A : memref<!tpu.dma_semaphore, #tpu.memory_space<semaphore_mem>>) src(%dma_wait3A_98 : memref<10240xf32, #tpu.memory_space<hbm>>) dst(%arg5 : memref<10240xf32, #tpu.memory_space<vmem>>)
        tpu.yield
      }) : () -> ()
      %broadcast_in_dim3A_32 = arith.constant 1.000000e+30 : f32
      %broadcast_in_dim3A_33 = vector.broadcast %broadcast_in_dim3A_32 : f32 to vector<16xf32>
      %swap3A_34 = arith.constant 0 : index
      %swap3A_35 = tpu.vector_load %arg6[%swap3A_34] {strides = array<i32>} : memref<96xf32, #tpu.memory_space<vmem>>, vector<16xf32>,
      tpu.vector_store %arg6[%swap3A_34], %broadcast_in_dim3A_33 {strides = array<i32>} : memref<96xf32, #tpu.memory_space<vmem>>, vector<16xf32>,
      %broadcast_in_dim3A_36 = arith.constant 1.000000e+30 : f32
      %broadcast_in_dim3A_37 = vector.broadcast %broadcast_in_dim3A_36 : f32 to vector<16xf32>
      %swap3A_38 = arith.constant 16 : index
      %swap3A_39 = tpu.vector_load %arg6[%swap3A_38] {strides = array<i32>} : memref<96xf32, #tpu.memory_space<vmem>>, vector<16xf32>,
      tpu.vector_store %arg6[%swap3A_38], %broadcast_in_dim3A_37 {strides = array<i32>} : memref<96xf32, #tpu.memory_space<vmem>>, vector<16xf32>,
      %broadcast_in_dim3A_40 = arith.constant 1.000000e+30 : f32
      %broadcast_in_dim3A_41 = vector.broadcast %broadcast_in_dim3A_40 : f32 to vector<16xf32>
      %swap3A_42 = arith.constant 32 : index
      %swap3A_43 = tpu.vector_load %arg6[%swap3A_42] {strides = array<i32>} : memref<96xf32, #tpu.memory_space<vmem>>, vector<16xf32>,
      tpu.vector_store %arg6[%swap3A_42], %broadcast_in_dim3A_41 {strides = array<i32>} : memref<96xf32, #tpu.memory_space<vmem>>, vector<16xf32>,
      %broadcast_in_dim3A_44 = arith.constant 1.000000e+30 : f32
      %broadcast_in_dim3A_45 = vector.broadcast %broadcast_in_dim3A_44 : f32 to vector<16xf32>
      %swap3A_46 = arith.constant 48 : index
      %swap3A_47 = tpu.vector_load %arg6[%swap3A_46] {strides = array<i32>} : memref<96xf32, #tpu.memory_space<vmem>>, vector<16xf32>,
      tpu.vector_store %arg6[%swap3A_46], %broadcast_in_dim3A_45 {strides = array<i32>} : memref<96xf32, #tpu.memory_space<vmem>>, vector<16xf32>,
      %broadcast_in_dim3A_48 = arith.constant 1.000000e+30 : f32
      %broadcast_in_dim3A_49 = vector.broadcast %broadcast_in_dim3A_48 : f32 to vector<16xf32>
      %swap3A_50 = arith.constant 64 : index
      %swap3A_51 = tpu.vector_load %arg6[%swap3A_50] {strides = array<i32>} : memref<96xf32, #tpu.memory_space<vmem>>, vector<16xf32>,
      tpu.vector_store %arg6[%swap3A_50], %broadcast_in_dim3A_49 {strides = array<i32>} : memref<96xf32, #tpu.memory_space<vmem>>, vector<16xf32>,
      %broadcast_in_dim3A_52 = arith.constant 1.000000e+30 : f32
      %broadcast_in_dim3A_53 = vector.broadcast %broadcast_in_dim3A_52 : f32 to vector<16xf32>
      %swap3A_54 = arith.constant 80 : index
      %swap3A_55 = tpu.vector_load %arg6[%swap3A_54] {strides = array<i32>} : memref<96xf32, #tpu.memory_space<vmem>>, vector<16xf32>,
      tpu.vector_store %arg6[%swap3A_54], %broadcast_in_dim3A_53 {strides = array<i32>} : memref<96xf32, #tpu.memory_space<vmem>>, vector<16xf32>,
      %scan3A_56 = arith.constant 0 : i32
      %scan3A_57 = arith.constant 0 : i32
      %scan3A_58 = arith.constant 640 : i32
      %scan3A_59 = arith.addi %scan3A_57, %scan3A_58 : i32
      %scan3A_60 = arith.constant 1 : i32
      %scan3A_61 = scf.for %scan3A_89 = %scan3A_57 to %scan3A_59 step %scan3A_60 iter_args(%scan3A_90 = %scan3A_56) -> (i32)  : i32 {
        %mul3A_91 = arith.constant 16 : i32
        %mul3A_92 = arith.muli %scan3A_89, %mul3A_91 : i32
        %get3A = arith.index_cast %mul3A_92 : i32 to index
        %get3A_93 = tpu.vector_load %arg5[%get3A] {strides = array<i32>} : memref<10240xf32, #tpu.memory_space<vmem>>, vector<16xf32>,
        %lt3A = arith.constant 1.000000e+30 : f32
        %lt3A_94 = vector.broadcast %lt3A : f32 to vector<16xf32>
        %lt3A_95 = arith.cmpf olt, %get3A_93, %lt3A_94 : vector<16xf32>
        %iota3A = tpu.iota {dimensions = array<i32: 0>} : vector<16xi32>
        %mul3A_96 = arith.constant 16 : i32
        %mul3A_97 = arith.muli %scan3A_89, %mul3A_96 : i32
        %add3A_98 = vector.broadcast %mul3A_97 : i32 to vector<16xi32>
        %add3A_99 = arith.addi %iota3A, %add3A_98 : vector<16xi32>
        %convert_element_type3A = arith.extui %lt3A_95 : vector<16xi1> to vector<16xi32>
        %cumsum3A = arith.constant true
        %cumsum3A_100 = vector.broadcast %cumsum3A : i1 to vector<16xi1>
        %cumsum3A_101 = tpu.scan <sum>, %convert_element_type3A masked %cumsum3A_100 : vector<16xi32>, vector<16xi1> -> vector<16xi32>
        %add3A_102 = vector.broadcast %scan3A_90 : i32 to vector<16xi32>
        %add3A_103 = arith.addi %add3A_102, %cumsum3A_101 : vector<16xi32>
        %sub3A = arith.constant 1 : i32
        %sub3A_104 = vector.broadcast %sub3A : i32 to vector<16xi32>
        %sub3A_105 = arith.subi %add3A_103, %sub3A_104 : vector<16xi32>
        tpu.vector_store_idx %arg6[%sub3A_105], %get3A_93 masked %lt3A_95 : memref<96xf32, #tpu.memory_space<vmem>>[vector<16xi32>], vector<16xf32>, vector<16xi1>
        tpu.vector_store_idx %arg7[%sub3A_105], %add3A_99 masked %lt3A_95 : memref<96xi32, #tpu.memory_space<vmem>>[vector<16xi32>], vector<16xi32>, vector<16xi1>
        %slice3A = vector.extract_strided_slice %cumsum3A_101 {offsets = [15], sizes = [1], strides = [1]} : vector<16xi32> to vector<1xi32>
        %squeeze3A = vector.extract %slice3A[0] : i32 from vector<1xi32>
        %add3A_106 = arith.addi %scan3A_90, %squeeze3A : i32
        scf.yield %add3A_106 : i32
      }
      %scan3A_62 = arith.constant 640 : i32
      %broadcast_in_dim3A_63 = arith.constant 0.000000e+00 : f32
      %broadcast_in_dim3A_64 = vector.broadcast %broadcast_in_dim3A_63 : f32 to vector<16xf32>
      %broadcast_in_dim3A_65 = arith.constant 0 : i32
      %broadcast_in_dim3A_66 = vector.broadcast %broadcast_in_dim3A_65 : i32 to vector<16xi32>
      %scan3A_67 = arith.constant 0 : i32
      %scan3A_68 = arith.constant 16 : i32
      %scan3A_69 = arith.addi %scan3A_67, %scan3A_68 : i32
      %scan3A_70 = arith.constant 1 : i32
      %scan3A_71:2 = scf.for %scan3A_89 = %scan3A_67 to %scan3A_69 step %scan3A_70 iter_args(%scan3A_90 = %broadcast_in_dim3A_64, %scan3A_91 = %broadcast_in_dim3A_66) -> (vector<16xf32>, vector<16xi32>)  : i32 {
        %get3A = arith.constant 0 : index
        %get3A_92 = tpu.vector_load %arg6[%get3A] {strides = array<i32>} : memref<96xf32, #tpu.memory_space<vmem>>, vector<16xf32>,
        %get3A_93 = arith.constant 16 : index
        %get3A_94 = tpu.vector_load %arg6[%get3A_93] {strides = array<i32>} : memref<96xf32, #tpu.memory_space<vmem>>, vector<16xf32>,
        %get3A_95 = arith.constant 32 : index
        %get3A_96 = tpu.vector_load %arg6[%get3A_95] {strides = array<i32>} : memref<96xf32, #tpu.memory_space<vmem>>, vector<16xf32>,
        %get3A_97 = arith.constant 48 : index
        %get3A_98 = tpu.vector_load %arg6[%get3A_97] {strides = array<i32>} : memref<96xf32, #tpu.memory_space<vmem>>, vector<16xf32>,
        %get3A_99 = arith.constant 64 : index
        %get3A_100 = tpu.vector_load %arg6[%get3A_99] {strides = array<i32>} : memref<96xf32, #tpu.memory_space<vmem>>, vector<16xf32>,
        %get3A_101 = arith.constant 80 : index
        %get3A_102 = tpu.vector_load %arg6[%get3A_101] {strides = array<i32>} : memref<96xf32, #tpu.memory_space<vmem>>, vector<16xf32>,
        %min3A = arith.minimumf %get3A_92, %get3A_94 : vector<16xf32>
        %min3A_103 = arith.minimumf %min3A, %get3A_96 : vector<16xf32>
        %min3A_104 = arith.minimumf %min3A_103, %get3A_98 : vector<16xf32>
        %min3A_105 = arith.minimumf %min3A_104, %get3A_100 : vector<16xf32>
        %min3A_106 = arith.minimumf %min3A_105, %get3A_102 : vector<16xf32>
        %reduce_min3A = arith.constant true
        %reduce_min3A_107 = vector.broadcast %reduce_min3A : i1 to vector<16xi1>
        %reduce_min3A_108 = tpu.scan <min>, %min3A_106 masked %reduce_min3A_107 : vector<16xf32>, vector<16xi1> -> vector<16xf32>
        %reduce_min3A_109 = vector.extract %reduce_min3A_108[15] : f32 from vector<16xf32>
        %eq3A = vector.broadcast %reduce_min3A_109 : f32 to vector<16xf32>
        %eq3A_110 = arith.cmpf oeq, %get3A_92, %eq3A : vector<16xf32>
        %get3A_111 = arith.constant 0 : index
        %get3A_112 = tpu.vector_load %arg7[%get3A_111] {strides = array<i32>} : memref<96xi32, #tpu.memory_space<vmem>>, vector<16xi32>,
        %jit3A = arith.constant 1073741824 : i32
        %broadcast_in_dim3A_113 = vector.broadcast %jit3A : i32 to vector<16xi32>
        %select_n3A = arith.select %eq3A_110, %get3A_112, %broadcast_in_dim3A_113 : vector<16xi1>, vector<16xi32>
        %reduce_min3A_114 = arith.constant true
        %reduce_min3A_115 = vector.broadcast %reduce_min3A_114 : i1 to vector<16xi1>
        %reduce_min3A_116 = arith.constant -2147483648 : i32
        %reduce_min3A_117 = vector.broadcast %reduce_min3A_116 : i32 to vector<16xi32>
        %reduce_min3A_118 = arith.xori %select_n3A, %reduce_min3A_117 : vector<16xi32>
        %reduce_min3A_119 = tpu.scan <min>, %reduce_min3A_118 masked %reduce_min3A_115 : vector<16xi32>, vector<16xi1> -> vector<16xi32>
        %reduce_min3A_120 = arith.xori %reduce_min3A_119, %reduce_min3A_117 : vector<16xi32>
        %reduce_min3A_121 = vector.extract %reduce_min3A_120[15] : i32 from vector<16xi32>
        %min3A_122 = arith.constant 1073741824 : i32
        %min3A_123 = arith.minsi %min3A_122, %reduce_min3A_121 : i32
        %eq3A_124 = vector.broadcast %reduce_min3A_109 : f32 to vector<16xf32>
        %eq3A_125 = arith.cmpf oeq, %get3A_94, %eq3A_124 : vector<16xf32>
        %get3A_126 = arith.constant 16 : index
        %get3A_127 = tpu.vector_load %arg7[%get3A_126] {strides = array<i32>} : memref<96xi32, #tpu.memory_space<vmem>>, vector<16xi32>,
        %jit3A_128 = arith.constant 1073741824 : i32
        %broadcast_in_dim3A_129 = vector.broadcast %jit3A_128 : i32 to vector<16xi32>
        %select_n3A_130 = arith.select %eq3A_125, %get3A_127, %broadcast_in_dim3A_129 : vector<16xi1>, vector<16xi32>
        %reduce_min3A_131 = arith.constant true
        %reduce_min3A_132 = vector.broadcast %reduce_min3A_131 : i1 to vector<16xi1>
        %reduce_min3A_133 = arith.constant -2147483648 : i32
        %reduce_min3A_134 = vector.broadcast %reduce_min3A_133 : i32 to vector<16xi32>
        %reduce_min3A_135 = arith.xori %select_n3A_130, %reduce_min3A_134 : vector<16xi32>
        %reduce_min3A_136 = tpu.scan <min>, %reduce_min3A_135 masked %reduce_min3A_132 : vector<16xi32>, vector<16xi1> -> vector<16xi32>
        %reduce_min3A_137 = arith.xori %reduce_min3A_136, %reduce_min3A_134 : vector<16xi32>
        %reduce_min3A_138 = vector.extract %reduce_min3A_137[15] : i32 from vector<16xi32>
        %min3A_139 = arith.minsi %min3A_123, %reduce_min3A_138 : i32
        %eq3A_140 = vector.broadcast %reduce_min3A_109 : f32 to vector<16xf32>
        %eq3A_141 = arith.cmpf oeq, %get3A_96, %eq3A_140 : vector<16xf32>
        %get3A_142 = arith.constant 32 : index
        %get3A_143 = tpu.vector_load %arg7[%get3A_142] {strides = array<i32>} : memref<96xi32, #tpu.memory_space<vmem>>, vector<16xi32>,
        %jit3A_144 = arith.constant 1073741824 : i32
        %broadcast_in_dim3A_145 = vector.broadcast %jit3A_144 : i32 to vector<16xi32>
        %select_n3A_146 = arith.select %eq3A_141, %get3A_143, %broadcast_in_dim3A_145 : vector<16xi1>, vector<16xi32>
        %reduce_min3A_147 = arith.constant true
        %reduce_min3A_148 = vector.broadcast %reduce_min3A_147 : i1 to vector<16xi1>
        %reduce_min3A_149 = arith.constant -2147483648 : i32
        %reduce_min3A_150 = vector.broadcast %reduce_min3A_149 : i32 to vector<16xi32>
        %reduce_min3A_151 = arith.xori %select_n3A_146, %reduce_min3A_150 : vector<16xi32>
        %reduce_min3A_152 = tpu.scan <min>, %reduce_min3A_151 masked %reduce_min3A_148 : vector<16xi32>, vector<16xi1> -> vector<16xi32>
        %reduce_min3A_153 = arith.xori %reduce_min3A_152, %reduce_min3A_150 : vector<16xi32>
        %reduce_min3A_154 = vector.extract %reduce_min3A_153[15] : i32 from vector<16xi32>
        %min3A_155 = arith.minsi %min3A_139, %reduce_min3A_154 : i32
        %eq3A_156 = vector.broadcast %reduce_min3A_109 : f32 to vector<16xf32>
        %eq3A_157 = arith.cmpf oeq, %get3A_98, %eq3A_156 : vector<16xf32>
        %get3A_158 = arith.constant 48 : index
        %get3A_159 = tpu.vector_load %arg7[%get3A_158] {strides = array<i32>} : memref<96xi32, #tpu.memory_space<vmem>>, vector<16xi32>,
        %jit3A_160 = arith.constant 1073741824 : i32
        %broadcast_in_dim3A_161 = vector.broadcast %jit3A_160 : i32 to vector<16xi32>
        %select_n3A_162 = arith.select %eq3A_157, %get3A_159, %broadcast_in_dim3A_161 : vector<16xi1>, vector<16xi32>
        %reduce_min3A_163 = arith.constant true
        %reduce_min3A_164 = vector.broadcast %reduce_min3A_163 : i1 to vector<16xi1>
        %reduce_min3A_165 = arith.constant -2147483648 : i32
        %reduce_min3A_166 = vector.broadcast %reduce_min3A_165 : i32 to vector<16xi32>
        %reduce_min3A_167 = arith.xori %select_n3A_162, %reduce_min3A_166 : vector<16xi32>
        %reduce_min3A_168 = tpu.scan <min>, %reduce_min3A_167 masked %reduce_min3A_164 : vector<16xi32>, vector<16xi1> -> vector<16xi32>
        %reduce_min3A_169 = arith.xori %reduce_min3A_168, %reduce_min3A_166 : vector<16xi32>
        %reduce_min3A_170 = vector.extract %reduce_min3A_169[15] : i32 from vector<16xi32>
        %min3A_171 = arith.minsi %min3A_155, %reduce_min3A_170 : i32
        %eq3A_172 = vector.broadcast %reduce_min3A_109 : f32 to vector<16xf32>
        %eq3A_173 = arith.cmpf oeq, %get3A_100, %eq3A_172 : vector<16xf32>
        %get3A_174 = arith.constant 64 : index
        %get3A_175 = tpu.vector_load %arg7[%get3A_174] {strides = array<i32>} : memref<96xi32, #tpu.memory_space<vmem>>, vector<16xi32>,
        %jit3A_176 = arith.constant 1073741824 : i32
        %broadcast_in_dim3A_177 = vector.broadcast %jit3A_176 : i32 to vector<16xi32>
        %select_n3A_178 = arith.select %eq3A_173, %get3A_175, %broadcast_in_dim3A_177 : vector<16xi1>, vector<16xi32>
        %reduce_min3A_179 = arith.constant true
        %reduce_min3A_180 = vector.broadcast %reduce_min3A_179 : i1 to vector<16xi1>
        %reduce_min3A_181 = arith.constant -2147483648 : i32
        %reduce_min3A_182 = vector.broadcast %reduce_min3A_181 : i32 to vector<16xi32>
        %reduce_min3A_183 = arith.xori %select_n3A_178, %reduce_min3A_182 : vector<16xi32>
        %reduce_min3A_184 = tpu.scan <min>, %reduce_min3A_183 masked %reduce_min3A_180 : vector<16xi32>, vector<16xi1> -> vector<16xi32>
        %reduce_min3A_185 = arith.xori %reduce_min3A_184, %reduce_min3A_182 : vector<16xi32>
        %reduce_min3A_186 = vector.extract %reduce_min3A_185[15] : i32 from vector<16xi32>
        %min3A_187 = arith.minsi %min3A_171, %reduce_min3A_186 : i32
        %eq3A_188 = vector.broadcast %reduce_min3A_109 : f32 to vector<16xf32>
        %eq3A_189 = arith.cmpf oeq, %get3A_102, %eq3A_188 : vector<16xf32>
        %get3A_190 = arith.constant 80 : index
        %get3A_191 = tpu.vector_load %arg7[%get3A_190] {strides = array<i32>} : memref<96xi32, #tpu.memory_space<vmem>>, vector<16xi32>,
        %jit3A_192 = arith.constant 1073741824 : i32
        %broadcast_in_dim3A_193 = vector.broadcast %jit3A_192 : i32 to vector<16xi32>
        %select_n3A_194 = arith.select %eq3A_189, %get3A_191, %broadcast_in_dim3A_193 : vector<16xi1>, vector<16xi32>
        %reduce_min3A_195 = arith.constant true
        %reduce_min3A_196 = vector.broadcast %reduce_min3A_195 : i1 to vector<16xi1>
        %reduce_min3A_197 = arith.constant -2147483648 : i32
        %reduce_min3A_198 = vector.broadcast %reduce_min3A_197 : i32 to vector<16xi32>
        %reduce_min3A_199 = arith.xori %select_n3A_194, %reduce_min3A_198 : vector<16xi32>
        %reduce_min3A_200 = tpu.scan <min>, %reduce_min3A_199 masked %reduce_min3A_196 : vector<16xi32>, vector<16xi1> -> vector<16xi32>
        %reduce_min3A_201 = arith.xori %reduce_min3A_200, %reduce_min3A_198 : vector<16xi32>
        %reduce_min3A_202 = vector.extract %reduce_min3A_201[15] : i32 from vector<16xi32>
        %min3A_203 = arith.minsi %min3A_187, %reduce_min3A_202 : i32
        %eq3A_204 = vector.broadcast %reduce_min3A_109 : f32 to vector<16xf32>
        %eq3A_205 = arith.cmpf oeq, %get3A_92, %eq3A_204 : vector<16xf32>
        %get3A_206 = arith.constant 0 : index
        %get3A_207 = tpu.vector_load %arg7[%get3A_206] {strides = array<i32>} : memref<96xi32, #tpu.memory_space<vmem>>, vector<16xi32>,
        %eq3A_208 = vector.broadcast %min3A_203 : i32 to vector<16xi32>
        %eq3A_209 = arith.cmpi eq, %get3A_207, %eq3A_208 : vector<16xi32>
        %and3A = arith.andi %eq3A_205, %eq3A_209 : vector<16xi1>
        %jit3A_210 = arith.constant 1.000000e+30 : f32
        %broadcast_in_dim3A_211 = vector.broadcast %jit3A_210 : f32 to vector<16xf32>
        %select_n3A_212 = arith.select %and3A, %broadcast_in_dim3A_211, %get3A_92 : vector<16xi1>, vector<16xf32>
        %swap3A_213 = arith.constant 0 : index
        %swap3A_214 = tpu.vector_load %arg6[%swap3A_213] {strides = array<i32>} : memref<96xf32, #tpu.memory_space<vmem>>, vector<16xf32>,
        tpu.vector_store %arg6[%swap3A_213], %select_n3A_212 {strides = array<i32>} : memref<96xf32, #tpu.memory_space<vmem>>, vector<16xf32>,
        %eq3A_215 = vector.broadcast %reduce_min3A_109 : f32 to vector<16xf32>
        %eq3A_216 = arith.cmpf oeq, %get3A_94, %eq3A_215 : vector<16xf32>
        %get3A_217 = arith.constant 16 : index
        %get3A_218 = tpu.vector_load %arg7[%get3A_217] {strides = array<i32>} : memref<96xi32, #tpu.memory_space<vmem>>, vector<16xi32>,
        %eq3A_219 = vector.broadcast %min3A_203 : i32 to vector<16xi32>
        %eq3A_220 = arith.cmpi eq, %get3A_218, %eq3A_219 : vector<16xi32>
        %and3A_221 = arith.andi %eq3A_216, %eq3A_220 : vector<16xi1>
        %jit3A_222 = arith.constant 1.000000e+30 : f32
        %broadcast_in_dim3A_223 = vector.broadcast %jit3A_222 : f32 to vector<16xf32>
        %select_n3A_224 = arith.select %and3A_221, %broadcast_in_dim3A_223, %get3A_94 : vector<16xi1>, vector<16xf32>
        %swap3A_225 = arith.constant 16 : index
        %swap3A_226 = tpu.vector_load %arg6[%swap3A_225] {strides = array<i32>} : memref<96xf32, #tpu.memory_space<vmem>>, vector<16xf32>,
        tpu.vector_store %arg6[%swap3A_225], %select_n3A_224 {strides = array<i32>} : memref<96xf32, #tpu.memory_space<vmem>>, vector<16xf32>,
        %eq3A_227 = vector.broadcast %reduce_min3A_109 : f32 to vector<16xf32>
        %eq3A_228 = arith.cmpf oeq, %get3A_96, %eq3A_227 : vector<16xf32>
        %get3A_229 = arith.constant 32 : index
        %get3A_230 = tpu.vector_load %arg7[%get3A_229] {strides = array<i32>} : memref<96xi32, #tpu.memory_space<vmem>>, vector<16xi32>,
        %eq3A_231 = vector.broadcast %min3A_203 : i32 to vector<16xi32>
        %eq3A_232 = arith.cmpi eq, %get3A_230, %eq3A_231 : vector<16xi32>
        %and3A_233 = arith.andi %eq3A_228, %eq3A_232 : vector<16xi1>
        %jit3A_234 = arith.constant 1.000000e+30 : f32
        %broadcast_in_dim3A_235 = vector.broadcast %jit3A_234 : f32 to vector<16xf32>
        %select_n3A_236 = arith.select %and3A_233, %broadcast_in_dim3A_235, %get3A_96 : vector<16xi1>, vector<16xf32>
        %swap3A_237 = arith.constant 32 : index
        %swap3A_238 = tpu.vector_load %arg6[%swap3A_237] {strides = array<i32>} : memref<96xf32, #tpu.memory_space<vmem>>, vector<16xf32>,
        tpu.vector_store %arg6[%swap3A_237], %select_n3A_236 {strides = array<i32>} : memref<96xf32, #tpu.memory_space<vmem>>, vector<16xf32>,
        %eq3A_239 = vector.broadcast %reduce_min3A_109 : f32 to vector<16xf32>
        %eq3A_240 = arith.cmpf oeq, %get3A_98, %eq3A_239 : vector<16xf32>
        %get3A_241 = arith.constant 48 : index
        %get3A_242 = tpu.vector_load %arg7[%get3A_241] {strides = array<i32>} : memref<96xi32, #tpu.memory_space<vmem>>, vector<16xi32>,
        %eq3A_243 = vector.broadcast %min3A_203 : i32 to vector<16xi32>
        %eq3A_244 = arith.cmpi eq, %get3A_242, %eq3A_243 : vector<16xi32>
        %and3A_245 = arith.andi %eq3A_240, %eq3A_244 : vector<16xi1>
        %jit3A_246 = arith.constant 1.000000e+30 : f32
        %broadcast_in_dim3A_247 = vector.broadcast %jit3A_246 : f32 to vector<16xf32>
        %select_n3A_248 = arith.select %and3A_245, %broadcast_in_dim3A_247, %get3A_98 : vector<16xi1>, vector<16xf32>
        %swap3A_249 = arith.constant 48 : index
        %swap3A_250 = tpu.vector_load %arg6[%swap3A_249] {strides = array<i32>} : memref<96xf32, #tpu.memory_space<vmem>>, vector<16xf32>,
        tpu.vector_store %arg6[%swap3A_249], %select_n3A_248 {strides = array<i32>} : memref<96xf32, #tpu.memory_space<vmem>>, vector<16xf32>,
        %eq3A_251 = vector.broadcast %reduce_min3A_109 : f32 to vector<16xf32>
        %eq3A_252 = arith.cmpf oeq, %get3A_100, %eq3A_251 : vector<16xf32>
        %get3A_253 = arith.constant 64 : index
        %get3A_254 = tpu.vector_load %arg7[%get3A_253] {strides = array<i32>} : memref<96xi32, #tpu.memory_space<vmem>>, vector<16xi32>,
        %eq3A_255 = vector.broadcast %min3A_203 : i32 to vector<16xi32>
        %eq3A_256 = arith.cmpi eq, %get3A_254, %eq3A_255 : vector<16xi32>
        %and3A_257 = arith.andi %eq3A_252, %eq3A_256 : vector<16xi1>
        %jit3A_258 = arith.constant 1.000000e+30 : f32
        %broadcast_in_dim3A_259 = vector.broadcast %jit3A_258 : f32 to vector<16xf32>
        %select_n3A_260 = arith.select %and3A_257, %broadcast_in_dim3A_259, %get3A_100 : vector<16xi1>, vector<16xf32>
        %swap3A_261 = arith.constant 64 : index
        %swap3A_262 = tpu.vector_load %arg6[%swap3A_261] {strides = array<i32>} : memref<96xf32, #tpu.memory_space<vmem>>, vector<16xf32>,
        tpu.vector_store %arg6[%swap3A_261], %select_n3A_260 {strides = array<i32>} : memref<96xf32, #tpu.memory_space<vmem>>, vector<16xf32>,
        %eq3A_263 = vector.broadcast %reduce_min3A_109 : f32 to vector<16xf32>
        %eq3A_264 = arith.cmpf oeq, %get3A_102, %eq3A_263 : vector<16xf32>
        %get3A_265 = arith.constant 80 : index
        %get3A_266 = tpu.vector_load %arg7[%get3A_265] {strides = array<i32>} : memref<96xi32, #tpu.memory_space<vmem>>, vector<16xi32>,
        %eq3A_267 = vector.broadcast %min3A_203 : i32 to vector<16xi32>
        %eq3A_268 = arith.cmpi eq, %get3A_266, %eq3A_267 : vector<16xi32>
        %and3A_269 = arith.andi %eq3A_264, %eq3A_268 : vector<16xi1>
        %jit3A_270 = arith.constant 1.000000e+30 : f32
        %broadcast_in_dim3A_271 = vector.broadcast %jit3A_270 : f32 to vector<16xf32>
        %select_n3A_272 = arith.select %and3A_269, %broadcast_in_dim3A_271, %get3A_102 : vector<16xi1>, vector<16xf32>
        %swap3A_273 = arith.constant 80 : index
        %swap3A_274 = tpu.vector_load %arg6[%swap3A_273] {strides = array<i32>} : memref<96xf32, #tpu.memory_space<vmem>>, vector<16xf32>,
        tpu.vector_store %arg6[%swap3A_273], %select_n3A_272 {strides = array<i32>} : memref<96xf32, #tpu.memory_space<vmem>>, vector<16xf32>,
        %iota3A = tpu.iota {dimensions = array<i32: 0>} : vector<16xi32>
        %eq3A_275 = vector.broadcast %scan3A_89 : i32 to vector<16xi32>
        %eq3A_276 = arith.cmpi eq, %iota3A, %eq3A_275 : vector<16xi32>
        %broadcast_in_dim3A_277 = vector.broadcast %reduce_min3A_109 : f32 to vector<16xf32>
        %select_n3A_278 = arith.select %eq3A_276, %broadcast_in_dim3A_277, %scan3A_90 : vector<16xi1>, vector<16xf32>
        %broadcast_in_dim3A_279 = vector.broadcast %min3A_203 : i32 to vector<16xi32>
        %select_n3A_280 = arith.select %eq3A_276, %broadcast_in_dim3A_279, %scan3A_91 : vector<16xi1>, vector<16xi32>
        scf.yield %select_n3A_278, %select_n3A_280 : vector<16xf32>, vector<16xi32>
      }
      %scan3A_72 = arith.constant 16 : i32
      %scan3A_73 = arith.constant 0 : i32
      %scan3A_74 = arith.constant 16 : i32
      %scan3A_75 = arith.addi %scan3A_73, %scan3A_74 : i32
      %scan3A_76 = arith.constant 1 : i32
      %scan3A_77:2 = scf.for %scan3A_89 = %scan3A_73 to %scan3A_75 step %scan3A_76 iter_args(%scan3A_90 = %broadcast_in_dim3A_64, %scan3A_91 = %broadcast_in_dim3A_66) -> (vector<16xf32>, vector<16xi32>)  : i32 {
        %get3A = arith.constant 0 : index
        %get3A_92 = tpu.vector_load %arg6[%get3A] {strides = array<i32>} : memref<96xf32, #tpu.memory_space<vmem>>, vector<16xf32>,
        %get3A_93 = arith.constant 16 : index
        %get3A_94 = tpu.vector_load %arg6[%get3A_93] {strides = array<i32>} : memref<96xf32, #tpu.memory_space<vmem>>, vector<16xf32>,
        %get3A_95 = arith.constant 32 : index
        %get3A_96 = tpu.vector_load %arg6[%get3A_95] {strides = array<i32>} : memref<96xf32, #tpu.memory_space<vmem>>, vector<16xf32>,
        %get3A_97 = arith.constant 48 : index
        %get3A_98 = tpu.vector_load %arg6[%get3A_97] {strides = array<i32>} : memref<96xf32, #tpu.memory_space<vmem>>, vector<16xf32>,
        %get3A_99 = arith.constant 64 : index
        %get3A_100 = tpu.vector_load %arg6[%get3A_99] {strides = array<i32>} : memref<96xf32, #tpu.memory_space<vmem>>, vector<16xf32>,
        %get3A_101 = arith.constant 80 : index
        %get3A_102 = tpu.vector_load %arg6[%get3A_101] {strides = array<i32>} : memref<96xf32, #tpu.memory_space<vmem>>, vector<16xf32>,
        %min3A = arith.minimumf %get3A_92, %get3A_94 : vector<16xf32>
        %min3A_103 = arith.minimumf %min3A, %get3A_96 : vector<16xf32>
        %min3A_104 = arith.minimumf %min3A_103, %get3A_98 : vector<16xf32>
        %min3A_105 = arith.minimumf %min3A_104, %get3A_100 : vector<16xf32>
        %min3A_106 = arith.minimumf %min3A_105, %get3A_102 : vector<16xf32>
        %reduce_min3A = arith.constant true
        %reduce_min3A_107 = vector.broadcast %reduce_min3A : i1 to vector<16xi1>
        %reduce_min3A_108 = tpu.scan <min>, %min3A_106 masked %reduce_min3A_107 : vector<16xf32>, vector<16xi1> -> vector<16xf32>
        %reduce_min3A_109 = vector.extract %reduce_min3A_108[15] : f32 from vector<16xf32>
        %eq3A = vector.broadcast %reduce_min3A_109 : f32 to vector<16xf32>
        %eq3A_110 = arith.cmpf oeq, %get3A_92, %eq3A : vector<16xf32>
        %get3A_111 = arith.constant 0 : index
        %get3A_112 = tpu.vector_load %arg7[%get3A_111] {strides = array<i32>} : memref<96xi32, #tpu.memory_space<vmem>>, vector<16xi32>,
        %jit3A = arith.constant 1073741824 : i32
        %broadcast_in_dim3A_113 = vector.broadcast %jit3A : i32 to vector<16xi32>
        %select_n3A = arith.select %eq3A_110, %get3A_112, %broadcast_in_dim3A_113 : vector<16xi1>, vector<16xi32>
        %reduce_min3A_114 = arith.constant true
        %reduce_min3A_115 = vector.broadcast %reduce_min3A_114 : i1 to vector<16xi1>
        %reduce_min3A_116 = arith.constant -2147483648 : i32
        %reduce_min3A_117 = vector.broadcast %reduce_min3A_116 : i32 to vector<16xi32>
        %reduce_min3A_118 = arith.xori %select_n3A, %reduce_min3A_117 : vector<16xi32>
        %reduce_min3A_119 = tpu.scan <min>, %reduce_min3A_118 masked %reduce_min3A_115 : vector<16xi32>, vector<16xi1> -> vector<16xi32>
        %reduce_min3A_120 = arith.xori %reduce_min3A_119, %reduce_min3A_117 : vector<16xi32>
        %reduce_min3A_121 = vector.extract %reduce_min3A_120[15] : i32 from vector<16xi32>
        %min3A_122 = arith.constant 1073741824 : i32
        %min3A_123 = arith.minsi %min3A_122, %reduce_min3A_121 : i32
        %eq3A_124 = vector.broadcast %reduce_min3A_109 : f32 to vector<16xf32>
        %eq3A_125 = arith.cmpf oeq, %get3A_94, %eq3A_124 : vector<16xf32>
        %get3A_126 = arith.constant 16 : index
        %get3A_127 = tpu.vector_load %arg7[%get3A_126] {strides = array<i32>} : memref<96xi32, #tpu.memory_space<vmem>>, vector<16xi32>,
        %jit3A_128 = arith.constant 1073741824 : i32
        %broadcast_in_dim3A_129 = vector.broadcast %jit3A_128 : i32 to vector<16xi32>
        %select_n3A_130 = arith.select %eq3A_125, %get3A_127, %broadcast_in_dim3A_129 : vector<16xi1>, vector<16xi32>
        %reduce_min3A_131 = arith.constant true
        %reduce_min3A_132 = vector.broadcast %reduce_min3A_131 : i1 to vector<16xi1>
        %reduce_min3A_133 = arith.constant -2147483648 : i32
        %reduce_min3A_134 = vector.broadcast %reduce_min3A_133 : i32 to vector<16xi32>
        %reduce_min3A_135 = arith.xori %select_n3A_130, %reduce_min3A_134 : vector<16xi32>
        %reduce_min3A_136 = tpu.scan <min>, %reduce_min3A_135 masked %reduce_min3A_132 : vector<16xi32>, vector<16xi1> -> vector<16xi32>
        %reduce_min3A_137 = arith.xori %reduce_min3A_136, %reduce_min3A_134 : vector<16xi32>
        %reduce_min3A_138 = vector.extract %reduce_min3A_137[15] : i32 from vector<16xi32>
        %min3A_139 = arith.minsi %min3A_123, %reduce_min3A_138 : i32
        %eq3A_140 = vector.broadcast %reduce_min3A_109 : f32 to vector<16xf32>
        %eq3A_141 = arith.cmpf oeq, %get3A_96, %eq3A_140 : vector<16xf32>
        %get3A_142 = arith.constant 32 : index
        %get3A_143 = tpu.vector_load %arg7[%get3A_142] {strides = array<i32>} : memref<96xi32, #tpu.memory_space<vmem>>, vector<16xi32>,
        %jit3A_144 = arith.constant 1073741824 : i32
        %broadcast_in_dim3A_145 = vector.broadcast %jit3A_144 : i32 to vector<16xi32>
        %select_n3A_146 = arith.select %eq3A_141, %get3A_143, %broadcast_in_dim3A_145 : vector<16xi1>, vector<16xi32>
        %reduce_min3A_147 = arith.constant true
        %reduce_min3A_148 = vector.broadcast %reduce_min3A_147 : i1 to vector<16xi1>
        %reduce_min3A_149 = arith.constant -2147483648 : i32
        %reduce_min3A_150 = vector.broadcast %reduce_min3A_149 : i32 to vector<16xi32>
        %reduce_min3A_151 = arith.xori %select_n3A_146, %reduce_min3A_150 : vector<16xi32>
        %reduce_min3A_152 = tpu.scan <min>, %reduce_min3A_151 masked %reduce_min3A_148 : vector<16xi32>, vector<16xi1> -> vector<16xi32>
        %reduce_min3A_153 = arith.xori %reduce_min3A_152, %reduce_min3A_150 : vector<16xi32>
        %reduce_min3A_154 = vector.extract %reduce_min3A_153[15] : i32 from vector<16xi32>
        %min3A_155 = arith.minsi %min3A_139, %reduce_min3A_154 : i32
        %eq3A_156 = vector.broadcast %reduce_min3A_109 : f32 to vector<16xf32>
        %eq3A_157 = arith.cmpf oeq, %get3A_98, %eq3A_156 : vector<16xf32>
        %get3A_158 = arith.constant 48 : index
        %get3A_159 = tpu.vector_load %arg7[%get3A_158] {strides = array<i32>} : memref<96xi32, #tpu.memory_space<vmem>>, vector<16xi32>,
        %jit3A_160 = arith.constant 1073741824 : i32
        %broadcast_in_dim3A_161 = vector.broadcast %jit3A_160 : i32 to vector<16xi32>
        %select_n3A_162 = arith.select %eq3A_157, %get3A_159, %broadcast_in_dim3A_161 : vector<16xi1>, vector<16xi32>
        %reduce_min3A_163 = arith.constant true
        %reduce_min3A_164 = vector.broadcast %reduce_min3A_163 : i1 to vector<16xi1>
        %reduce_min3A_165 = arith.constant -2147483648 : i32
        %reduce_min3A_166 = vector.broadcast %reduce_min3A_165 : i32 to vector<16xi32>
        %reduce_min3A_167 = arith.xori %select_n3A_162, %reduce_min3A_166 : vector<16xi32>
        %reduce_min3A_168 = tpu.scan <min>, %reduce_min3A_167 masked %reduce_min3A_164 : vector<16xi32>, vector<16xi1> -> vector<16xi32>
        %reduce_min3A_169 = arith.xori %reduce_min3A_168, %reduce_min3A_166 : vector<16xi32>
        %reduce_min3A_170 = vector.extract %reduce_min3A_169[15] : i32 from vector<16xi32>
        %min3A_171 = arith.minsi %min3A_155, %reduce_min3A_170 : i32
        %eq3A_172 = vector.broadcast %reduce_min3A_109 : f32 to vector<16xf32>
        %eq3A_173 = arith.cmpf oeq, %get3A_100, %eq3A_172 : vector<16xf32>
        %get3A_174 = arith.constant 64 : index
        %get3A_175 = tpu.vector_load %arg7[%get3A_174] {strides = array<i32>} : memref<96xi32, #tpu.memory_space<vmem>>, vector<16xi32>,
        %jit3A_176 = arith.constant 1073741824 : i32
        %broadcast_in_dim3A_177 = vector.broadcast %jit3A_176 : i32 to vector<16xi32>
        %select_n3A_178 = arith.select %eq3A_173, %get3A_175, %broadcast_in_dim3A_177 : vector<16xi1>, vector<16xi32>
        %reduce_min3A_179 = arith.constant true
        %reduce_min3A_180 = vector.broadcast %reduce_min3A_179 : i1 to vector<16xi1>
        %reduce_min3A_181 = arith.constant -2147483648 : i32
        %reduce_min3A_182 = vector.broadcast %reduce_min3A_181 : i32 to vector<16xi32>
        %reduce_min3A_183 = arith.xori %select_n3A_178, %reduce_min3A_182 : vector<16xi32>
        %reduce_min3A_184 = tpu.scan <min>, %reduce_min3A_183 masked %reduce_min3A_180 : vector<16xi32>, vector<16xi1> -> vector<16xi32>
        %reduce_min3A_185 = arith.xori %reduce_min3A_184, %reduce_min3A_182 : vector<16xi32>
        %reduce_min3A_186 = vector.extract %reduce_min3A_185[15] : i32 from vector<16xi32>
        %min3A_187 = arith.minsi %min3A_171, %reduce_min3A_186 : i32
        %eq3A_188 = vector.broadcast %reduce_min3A_109 : f32 to vector<16xf32>
        %eq3A_189 = arith.cmpf oeq, %get3A_102, %eq3A_188 : vector<16xf32>
        %get3A_190 = arith.constant 80 : index
        %get3A_191 = tpu.vector_load %arg7[%get3A_190] {strides = array<i32>} : memref<96xi32, #tpu.memory_space<vmem>>, vector<16xi32>,
        %jit3A_192 = arith.constant 1073741824 : i32
        %broadcast_in_dim3A_193 = vector.broadcast %jit3A_192 : i32 to vector<16xi32>
        %select_n3A_194 = arith.select %eq3A_189, %get3A_191, %broadcast_in_dim3A_193 : vector<16xi1>, vector<16xi32>
        %reduce_min3A_195 = arith.constant true
        %reduce_min3A_196 = vector.broadcast %reduce_min3A_195 : i1 to vector<16xi1>
        %reduce_min3A_197 = arith.constant -2147483648 : i32
        %reduce_min3A_198 = vector.broadcast %reduce_min3A_197 : i32 to vector<16xi32>
        %reduce_min3A_199 = arith.xori %select_n3A_194, %reduce_min3A_198 : vector<16xi32>
        %reduce_min3A_200 = tpu.scan <min>, %reduce_min3A_199 masked %reduce_min3A_196 : vector<16xi32>, vector<16xi1> -> vector<16xi32>
        %reduce_min3A_201 = arith.xori %reduce_min3A_200, %reduce_min3A_198 : vector<16xi32>
        %reduce_min3A_202 = vector.extract %reduce_min3A_201[15] : i32 from vector<16xi32>
        %min3A_203 = arith.minsi %min3A_187, %reduce_min3A_202 : i32
        %eq3A_204 = vector.broadcast %reduce_min3A_109 : f32 to vector<16xf32>
        %eq3A_205 = arith.cmpf oeq, %get3A_92, %eq3A_204 : vector<16xf32>
        %get3A_206 = arith.constant 0 : index
        %get3A_207 = tpu.vector_load %arg7[%get3A_206] {strides = array<i32>} : memref<96xi32, #tpu.memory_space<vmem>>, vector<16xi32>,
        %eq3A_208 = vector.broadcast %min3A_203 : i32 to vector<16xi32>
        %eq3A_209 = arith.cmpi eq, %get3A_207, %eq3A_208 : vector<16xi32>
        %and3A = arith.andi %eq3A_205, %eq3A_209 : vector<16xi1>
        %jit3A_210 = arith.constant 1.000000e+30 : f32
        %broadcast_in_dim3A_211 = vector.broadcast %jit3A_210 : f32 to vector<16xf32>
        %select_n3A_212 = arith.select %and3A, %broadcast_in_dim3A_211, %get3A_92 : vector<16xi1>, vector<16xf32>
        %swap3A_213 = arith.constant 0 : index
        %swap3A_214 = tpu.vector_load %arg6[%swap3A_213] {strides = array<i32>} : memref<96xf32, #tpu.memory_space<vmem>>, vector<16xf32>,
        tpu.vector_store %arg6[%swap3A_213], %select_n3A_212 {strides = array<i32>} : memref<96xf32, #tpu.memory_space<vmem>>, vector<16xf32>,
        %eq3A_215 = vector.broadcast %reduce_min3A_109 : f32 to vector<16xf32>
        %eq3A_216 = arith.cmpf oeq, %get3A_94, %eq3A_215 : vector<16xf32>
        %get3A_217 = arith.constant 16 : index
        %get3A_218 = tpu.vector_load %arg7[%get3A_217] {strides = array<i32>} : memref<96xi32, #tpu.memory_space<vmem>>, vector<16xi32>,
        %eq3A_219 = vector.broadcast %min3A_203 : i32 to vector<16xi32>
        %eq3A_220 = arith.cmpi eq, %get3A_218, %eq3A_219 : vector<16xi32>
        %and3A_221 = arith.andi %eq3A_216, %eq3A_220 : vector<16xi1>
        %jit3A_222 = arith.constant 1.000000e+30 : f32
        %broadcast_in_dim3A_223 = vector.broadcast %jit3A_222 : f32 to vector<16xf32>
        %select_n3A_224 = arith.select %and3A_221, %broadcast_in_dim3A_223, %get3A_94 : vector<16xi1>, vector<16xf32>
        %swap3A_225 = arith.constant 16 : index
        %swap3A_226 = tpu.vector_load %arg6[%swap3A_225] {strides = array<i32>} : memref<96xf32, #tpu.memory_space<vmem>>, vector<16xf32>,
        tpu.vector_store %arg6[%swap3A_225], %select_n3A_224 {strides = array<i32>} : memref<96xf32, #tpu.memory_space<vmem>>, vector<16xf32>,
        %eq3A_227 = vector.broadcast %reduce_min3A_109 : f32 to vector<16xf32>
        %eq3A_228 = arith.cmpf oeq, %get3A_96, %eq3A_227 : vector<16xf32>
        %get3A_229 = arith.constant 32 : index
        %get3A_230 = tpu.vector_load %arg7[%get3A_229] {strides = array<i32>} : memref<96xi32, #tpu.memory_space<vmem>>, vector<16xi32>,
        %eq3A_231 = vector.broadcast %min3A_203 : i32 to vector<16xi32>
        %eq3A_232 = arith.cmpi eq, %get3A_230, %eq3A_231 : vector<16xi32>
        %and3A_233 = arith.andi %eq3A_228, %eq3A_232 : vector<16xi1>
        %jit3A_234 = arith.constant 1.000000e+30 : f32
        %broadcast_in_dim3A_235 = vector.broadcast %jit3A_234 : f32 to vector<16xf32>
        %select_n3A_236 = arith.select %and3A_233, %broadcast_in_dim3A_235, %get3A_96 : vector<16xi1>, vector<16xf32>
        %swap3A_237 = arith.constant 32 : index
        %swap3A_238 = tpu.vector_load %arg6[%swap3A_237] {strides = array<i32>} : memref<96xf32, #tpu.memory_space<vmem>>, vector<16xf32>,
        tpu.vector_store %arg6[%swap3A_237], %select_n3A_236 {strides = array<i32>} : memref<96xf32, #tpu.memory_space<vmem>>, vector<16xf32>,
        %eq3A_239 = vector.broadcast %reduce_min3A_109 : f32 to vector<16xf32>
        %eq3A_240 = arith.cmpf oeq, %get3A_98, %eq3A_239 : vector<16xf32>
        %get3A_241 = arith.constant 48 : index
        %get3A_242 = tpu.vector_load %arg7[%get3A_241] {strides = array<i32>} : memref<96xi32, #tpu.memory_space<vmem>>, vector<16xi32>,
        %eq3A_243 = vector.broadcast %min3A_203 : i32 to vector<16xi32>
        %eq3A_244 = arith.cmpi eq, %get3A_242, %eq3A_243 : vector<16xi32>
        %and3A_245 = arith.andi %eq3A_240, %eq3A_244 : vector<16xi1>
        %jit3A_246 = arith.constant 1.000000e+30 : f32
        %broadcast_in_dim3A_247 = vector.broadcast %jit3A_246 : f32 to vector<16xf32>
        %select_n3A_248 = arith.select %and3A_245, %broadcast_in_dim3A_247, %get3A_98 : vector<16xi1>, vector<16xf32>
        %swap3A_249 = arith.constant 48 : index
        %swap3A_250 = tpu.vector_load %arg6[%swap3A_249] {strides = array<i32>} : memref<96xf32, #tpu.memory_space<vmem>>, vector<16xf32>,
        tpu.vector_store %arg6[%swap3A_249], %select_n3A_248 {strides = array<i32>} : memref<96xf32, #tpu.memory_space<vmem>>, vector<16xf32>,
        %eq3A_251 = vector.broadcast %reduce_min3A_109 : f32 to vector<16xf32>
        %eq3A_252 = arith.cmpf oeq, %get3A_100, %eq3A_251 : vector<16xf32>
        %get3A_253 = arith.constant 64 : index
        %get3A_254 = tpu.vector_load %arg7[%get3A_253] {strides = array<i32>} : memref<96xi32, #tpu.memory_space<vmem>>, vector<16xi32>,
        %eq3A_255 = vector.broadcast %min3A_203 : i32 to vector<16xi32>
        %eq3A_256 = arith.cmpi eq, %get3A_254, %eq3A_255 : vector<16xi32>
        %and3A_257 = arith.andi %eq3A_252, %eq3A_256 : vector<16xi1>
        %jit3A_258 = arith.constant 1.000000e+30 : f32
        %broadcast_in_dim3A_259 = vector.broadcast %jit3A_258 : f32 to vector<16xf32>
        %select_n3A_260 = arith.select %and3A_257, %broadcast_in_dim3A_259, %get3A_100 : vector<16xi1>, vector<16xf32>
        %swap3A_261 = arith.constant 64 : index
        %swap3A_262 = tpu.vector_load %arg6[%swap3A_261] {strides = array<i32>} : memref<96xf32, #tpu.memory_space<vmem>>, vector<16xf32>,
        tpu.vector_store %arg6[%swap3A_261], %select_n3A_260 {strides = array<i32>} : memref<96xf32, #tpu.memory_space<vmem>>, vector<16xf32>,
        %eq3A_263 = vector.broadcast %reduce_min3A_109 : f32 to vector<16xf32>
        %eq3A_264 = arith.cmpf oeq, %get3A_102, %eq3A_263 : vector<16xf32>
        %get3A_265 = arith.constant 80 : index
        %get3A_266 = tpu.vector_load %arg7[%get3A_265] {strides = array<i32>} : memref<96xi32, #tpu.memory_space<vmem>>, vector<16xi32>,
        %eq3A_267 = vector.broadcast %min3A_203 : i32 to vector<16xi32>
        %eq3A_268 = arith.cmpi eq, %get3A_266, %eq3A_267 : vector<16xi32>
        %and3A_269 = arith.andi %eq3A_264, %eq3A_268 : vector<16xi1>
        %jit3A_270 = arith.constant 1.000000e+30 : f32
        %broadcast_in_dim3A_271 = vector.broadcast %jit3A_270 : f32 to vector<16xf32>
        %select_n3A_272 = arith.select %and3A_269, %broadcast_in_dim3A_271, %get3A_102 : vector<16xi1>, vector<16xf32>
        %swap3A_273 = arith.constant 80 : index
        %swap3A_274 = tpu.vector_load %arg6[%swap3A_273] {strides = array<i32>} : memref<96xf32, #tpu.memory_space<vmem>>, vector<16xf32>,
        tpu.vector_store %arg6[%swap3A_273], %select_n3A_272 {strides = array<i32>} : memref<96xf32, #tpu.memory_space<vmem>>, vector<16xf32>,
        %iota3A = tpu.iota {dimensions = array<i32: 0>} : vector<16xi32>
        %eq3A_275 = vector.broadcast %scan3A_89 : i32 to vector<16xi32>
        %eq3A_276 = arith.cmpi eq, %iota3A, %eq3A_275 : vector<16xi32>
        %broadcast_in_dim3A_277 = vector.broadcast %reduce_min3A_109 : f32 to vector<16xf32>
        %select_n3A_278 = arith.select %eq3A_276, %broadcast_in_dim3A_277, %scan3A_90 : vector<16xi1>, vector<16xf32>
        %broadcast_in_dim3A_279 = vector.broadcast %min3A_203 : i32 to vector<16xi32>
        %select_n3A_280 = arith.select %eq3A_276, %broadcast_in_dim3A_279, %scan3A_91 : vector<16xi1>, vector<16xi32>
        scf.yield %select_n3A_278, %select_n3A_280 : vector<16xf32>, vector<16xi32>
      }
      %scan3A_78 = arith.constant 16 : i32
      %swap3A_79 = arith.constant 0 : index
      %swap3A_80 = tpu.vector_load %arg8[%swap3A_79] {strides = array<i32>} : memref<32xf32, #tpu.memory_space<vmem>>, vector<16xf32>,
      tpu.vector_store %arg8[%swap3A_79], %scan3A_71#0 {strides = array<i32>} : memref<32xf32, #tpu.memory_space<vmem>>, vector<16xf32>,
      %swap3A_81 = arith.constant 16 : index
      %swap3A_82 = tpu.vector_load %arg8[%swap3A_81] {strides = array<i32>} : memref<32xf32, #tpu.memory_space<vmem>>, vector<16xf32>,
      tpu.vector_store %arg8[%swap3A_81], %scan3A_77#0 {strides = array<i32>} : memref<32xf32, #tpu.memory_space<vmem>>, vector<16xf32>,
      %swap3A_83 = arith.constant 0 : index
      %swap3A_84 = tpu.vector_load %arg9[%swap3A_83] {strides = array<i32>} : memref<32xi32, #tpu.memory_space<vmem>>, vector<16xi32>,
      tpu.vector_store %arg9[%swap3A_83], %scan3A_71#1 {strides = array<i32>} : memref<32xi32, #tpu.memory_space<vmem>>, vector<16xi32>,
      %swap3A_85 = arith.constant 16 : index
      %swap3A_86 = tpu.vector_load %arg9[%swap3A_85] {strides = array<i32>} : memref<32xi32, #tpu.memory_space<vmem>>, vector<16xi32>,
      tpu.vector_store %arg9[%swap3A_85], %scan3A_77#1 {strides = array<i32>} : memref<32xi32, #tpu.memory_space<vmem>>, vector<16xi32>,
      %add3A_87 = arith.addi %mul3A_2, %scan3A_30 : i32
      "tpu.region"() ({
        %run_scoped3A = tpu.sem_alloc : memref<!tpu.dma_semaphore, #tpu.memory_space<semaphore_mem>>
        %dma_start3A = arith.constant 0 : i32
        %dma_start3A_89 = tpu.memref_slice %arg3[%add3A_87, %dma_start3A] : memref<10240x32xf32, #tpu.memory_space<hbm>> -> memref<1x32xf32, #tpu.memory_space<hbm>>
        %dma_start3A_90 = tpu.memref_squeeze %dma_start3A_89 : memref<1x32xf32, #tpu.memory_space<hbm>> -> memref<32xf32, #tpu.memory_space<hbm>>
        %dma_start3A_91 = arith.constant 0 : i32
        %dma_start3A_92 = tpu.memref_slice %arg3[%add3A_87, %dma_start3A_91] : memref<10240x32xf32, #tpu.memory_space<hbm>> -> memref<1x32xf32, #tpu.memory_space<hbm>>
        %dma_start3A_93 = tpu.memref_squeeze %dma_start3A_92 : memref<1x32xf32, #tpu.memory_space<hbm>> -> memref<32xf32, #tpu.memory_space<hbm>>
        tpu.enqueue_dma source(%arg8 : memref<32xf32, #tpu.memory_space<vmem>>) target(%dma_start3A_93 : memref<32xf32, #tpu.memory_space<hbm>>) target_semaphore(%run_scoped3A : memref<!tpu.dma_semaphore, #tpu.memory_space<semaphore_mem>>)
        %dma_wait3A = arith.constant 0 : i32
        %dma_wait3A_94 = tpu.memref_slice %arg3[%add3A_87, %dma_wait3A] : memref<10240x32xf32, #tpu.memory_space<hbm>> -> memref<1x32xf32, #tpu.memory_space<hbm>>
        %dma_wait3A_95 = tpu.memref_squeeze %dma_wait3A_94 : memref<1x32xf32, #tpu.memory_space<hbm>> -> memref<32xf32, #tpu.memory_space<hbm>>
        %dma_wait3A_96 = arith.constant 0 : i32
        %dma_wait3A_97 = tpu.memref_slice %arg3[%add3A_87, %dma_wait3A_96] : memref<10240x32xf32, #tpu.memory_space<hbm>> -> memref<1x32xf32, #tpu.memory_space<hbm>>
        %dma_wait3A_98 = tpu.memref_squeeze %dma_wait3A_97 : memref<1x32xf32, #tpu.memory_space<hbm>> -> memref<32xf32, #tpu.memory_space<hbm>>
        tpu.wait_dma2 semaphore(%run_scoped3A : memref<!tpu.dma_semaphore, #tpu.memory_space<semaphore_mem>>) src(%arg8 : memref<32xf32, #tpu.memory_space<vmem>>) dst(%dma_wait3A_98 : memref<32xf32, #tpu.memory_space<hbm>>)
        tpu.yield
      }) : () -> ()
      %add3A_88 = arith.addi %mul3A_2, %scan3A_30 : i32
      "tpu.region"() ({
        %run_scoped3A = tpu.sem_alloc : memref<!tpu.dma_semaphore, #tpu.memory_space<semaphore_mem>>
        %dma_start3A = arith.constant 0 : i32
        %dma_start3A_89 = tpu.memref_slice %arg4[%add3A_88, %dma_start3A] : memref<10240x32xi32, #tpu.memory_space<hbm>> -> memref<1x32xi32, #tpu.memory_space<hbm>>
        %dma_start3A_90 = tpu.memref_squeeze %dma_start3A_89 : memref<1x32xi32, #tpu.memory_space<hbm>> -> memref<32xi32, #tpu.memory_space<hbm>>
        %dma_start3A_91 = arith.constant 0 : i32
        %dma_start3A_92 = tpu.memref_slice %arg4[%add3A_88, %dma_start3A_91] : memref<10240x32xi32, #tpu.memory_space<hbm>> -> memref<1x32xi32, #tpu.memory_space<hbm>>
        %dma_start3A_93 = tpu.memref_squeeze %dma_start3A_92 : memref<1x32xi32, #tpu.memory_space<hbm>> -> memref<32xi32, #tpu.memory_space<hbm>>
        tpu.enqueue_dma source(%arg9 : memref<32xi32, #tpu.memory_space<vmem>>) target(%dma_start3A_93 : memref<32xi32, #tpu.memory_space<hbm>>) target_semaphore(%run_scoped3A : memref<!tpu.dma_semaphore, #tpu.memory_space<semaphore_mem>>)
        %dma_wait3A = arith.constant 0 : i32
        %dma_wait3A_94 = tpu.memref_slice %arg4[%add3A_88, %dma_wait3A] : memref<10240x32xi32, #tpu.memory_space<hbm>> -> memref<1x32xi32, #tpu.memory_space<hbm>>
        %dma_wait3A_95 = tpu.memref_squeeze %dma_wait3A_94 : memref<1x32xi32, #tpu.memory_space<hbm>> -> memref<32xi32, #tpu.memory_space<hbm>>
        %dma_wait3A_96 = arith.constant 0 : i32
        %dma_wait3A_97 = tpu.memref_slice %arg4[%add3A_88, %dma_wait3A_96] : memref<10240x32xi32, #tpu.memory_space<hbm>> -> memref<1x32xi32, #tpu.memory_space<hbm>>
        %dma_wait3A_98 = tpu.memref_squeeze %dma_wait3A_97 : memref<1x32xi32, #tpu.memory_space<hbm>> -> memref<32xi32, #tpu.memory_space<hbm>>
        tpu.wait_dma2 semaphore(%run_scoped3A : memref<!tpu.dma_semaphore, #tpu.memory_space<semaphore_mem>>) src(%arg9 : memref<32xi32, #tpu.memory_space<vmem>>) dst(%dma_wait3A_98 : memref<32xi32, #tpu.memory_space<hbm>>)
        tpu.yield
      }) : () -> ()
    }
    %scan3A_29 = arith.constant 320 : i32
    return
  }
}

module attributes {stable_mosaic.version = 14 : i64} {
  func.func @_d2_body(%arg0: i32, %arg1: memref<256x8xf32, #tpu.memory_space<vmem>>, %arg2: memref<256x1xf32, #tpu.memory_space<vmem>>, %arg3: memref<8x10240xf32, #tpu.memory_space<vmem>>, %arg4: memref<1x10240xf32, #tpu.memory_space<vmem>>, %arg5: memref<256x10240xf32, #tpu.memory_space<vmem>>) attributes {dimension_semantics = [#tpu.dimension_semantics<arbitrary>], iteration_bounds = array<i64: 40>, scalar_prefetch = 0 : i64, scratch_operands = 0 : i64, tpu.core_type = #tpu.core_type<tc>, window_params = [{transform_indices = @transform_0, window_bounds = array<i64: 256, 8>}, {transform_indices = @transform_1, window_bounds = array<i64: 256, 1>}, {pipeline_mode = #tpu.pipeline_mode<synchronous>, transform_indices = @transform_2, window_bounds = array<i64: 8, 10240>}, {pipeline_mode = #tpu.pipeline_mode<synchronous>, transform_indices = @transform_3, window_bounds = array<i64: 1, 10240>}, {transform_indices = @transform_4, window_bounds = array<i64: 256, 10240>}]} {
    %get3A = arith.constant 0 : index
    %get3A_0 = arith.constant 0 : index
    %get3A_1 = vector.load %arg1[%get3A, %get3A_0] : memref<256x8xf32, #tpu.memory_space<vmem>>, vector<256x8xf32>
    %get3A_2 = arith.constant 0 : index
    %get3A_3 = arith.constant 0 : index
    %get3A_4 = vector.load %arg3[%get3A_2, %get3A_3] : memref<8x10240xf32, #tpu.memory_space<vmem>>, vector<8x10240xf32>
    %dot_general3A = arith.constant dense<0.000000e+00> : vector<256x10240xf32>
    %dot_general3A_5 = tpu.matmul %get3A_1, %get3A_4, %dot_general3A {dimension_numbers = #tpu.dot_dimension_numbers<[1], [0], [0], [1], [0, 0, 1, 1], [], []>, transpose_lhs_hint = false} : vector<256x8xf32>, vector<8x10240xf32>, vector<256x10240xf32> -> vector<256x10240xf32>
    %get3A_6 = arith.constant 0 : index
    %get3A_7 = arith.constant 0 : index
    %get3A_8 = vector.load %arg2[%get3A_6, %get3A_7] : memref<256x1xf32, #tpu.memory_space<vmem>>, vector<256x1xf32>
    %get3A_9 = arith.constant 0 : index
    %get3A_10 = arith.constant 0 : index
    %get3A_11 = vector.load %arg4[%get3A_9, %get3A_10] : memref<1x10240xf32, #tpu.memory_space<vmem>>, vector<1x10240xf32>
    %add3A = vector.broadcast %get3A_8 : vector<256x1xf32> to vector<256x10240xf32>
    %add3A_12 = vector.broadcast %get3A_11 : vector<1x10240xf32> to vector<256x10240xf32>
    %add3A_13 = arith.addf %add3A, %add3A_12 : vector<256x10240xf32>
    %mul3A = arith.constant 2.000000e+00 : f32
    %mul3A_14 = vector.broadcast %mul3A : f32 to vector<256x10240xf32>
    %mul3A_15 = arith.mulf %mul3A_14, %dot_general3A_5 : vector<256x10240xf32>
    %sub3A = arith.subf %add3A_13, %mul3A_15 : vector<256x10240xf32>
    %iota3A = tpu.iota {dimensions = array<i32: 0>} : vector<256x10240xi32>
    %mul3A_16 = arith.constant 256 : i32
    %mul3A_17 = arith.muli %arg0, %mul3A_16 : i32
    %add3A_18 = vector.broadcast %mul3A_17 : i32 to vector<256x10240xi32>
    %add3A_19 = arith.addi %iota3A, %add3A_18 : vector<256x10240xi32>
    %iota3A_20 = tpu.iota {dimensions = array<i32: 1>} : vector<256x10240xi32>
    %eq3A = arith.cmpi eq, %add3A_19, %iota3A_20 : vector<256x10240xi32>
    %gt3A = arith.constant 2.209000e+01 : f32
    %gt3A_21 = vector.broadcast %gt3A : f32 to vector<256x10240xf32>
    %gt3A_22 = arith.cmpf ogt, %sub3A, %gt3A_21 : vector<256x10240xf32>
    %or3A = arith.ori %eq3A, %gt3A_22 : vector<256x10240xi1>
    %jit3A = arith.constant 1.000000e+30 : f32
    %broadcast_in_dim3A = vector.broadcast %jit3A : f32 to vector<256x10240xf32>
    %select_n3A = arith.select %or3A, %broadcast_in_dim3A, %sub3A : vector<256x10240xi1>, vector<256x10240xf32>
    %swap3A = arith.constant 0 : index
    %swap3A_23 = arith.constant 0 : index
    %swap3A_24 = vector.load %arg5[%swap3A, %swap3A_23] : memref<256x10240xf32, #tpu.memory_space<vmem>>, vector<256x10240xf32>
    tpu.vector_store %arg5[%swap3A, %swap3A_23], %select_n3A {strides = array<i32>} : memref<256x10240xf32, #tpu.memory_space<vmem>>, vector<256x10240xf32>,
    return
  }
  func.func @transform_0(%arg0: i32) -> (i32, i32) {
    %c0_i32 = arith.constant 0 : i32
    %c0_i32_0 = arith.constant 0 : i32
    return %arg0, %c0_i32 : i32, i32
  }
  func.func @transform_1(%arg0: i32) -> (i32, i32) {
    %c0_i32 = arith.constant 0 : i32
    %c0_i32_0 = arith.constant 0 : i32
    return %arg0, %c0_i32 : i32, i32
  }
  func.func @transform_2(%arg0: i32) -> (i32, i32) {
    %c0_i32 = arith.constant 0 : i32
    %c0_i32_0 = arith.constant 0 : i32
    %c0_i32_1 = arith.constant 0 : i32
    return %c0_i32, %c0_i32_0 : i32, i32
  }
  func.func @transform_3(%arg0: i32) -> (i32, i32) {
    %c0_i32 = arith.constant 0 : i32
    %c0_i32_0 = arith.constant 0 : i32
    %c0_i32_1 = arith.constant 0 : i32
    return %c0_i32, %c0_i32_0 : i32, i32
  }
  func.func @transform_4(%arg0: i32) -> (i32, i32) {
    %c0_i32 = arith.constant 0 : i32
    %c0_i32_0 = arith.constant 0 : i32
    return %arg0, %c0_i32 : i32, i32
  }
}

module attributes {stable_mosaic.version = 14 : i64} {
  func.func @_block_body(%arg0: i32, %arg1: memref<64x128xf32, #tpu.memory_space<vmem>>, %arg2: memref<8192x128xbf16, #tpu.memory_space<vmem>>, %arg3: memref<256x128xf32, #tpu.memory_space<vmem>>, %arg4: memref<50x128xf32, #tpu.memory_space<vmem>>, %arg5: memref<128xf32, #tpu.memory_space<vmem>>, %arg6: memref<128x128xf32, #tpu.memory_space<vmem>>, %arg7: memref<128xf32, #tpu.memory_space<vmem>>, %arg8: memref<128x128xf32, #tpu.memory_space<vmem>>, %arg9: memref<128xf32, #tpu.memory_space<vmem>>, %arg10: memref<128x128xf32, #tpu.memory_space<vmem>>, %arg11: memref<128xf32, #tpu.memory_space<vmem>>, %arg12: memref<256x128xf32, #tpu.memory_space<vmem>>) attributes {dimension_semantics = [#tpu.dimension_semantics<arbitrary>], iteration_bounds = array<i64: 40>, scalar_prefetch = 0 : i64, scratch_operands = 0 : i64, tpu.core_type = #tpu.core_type<tc>, window_params = [{transform_indices = @transform_0, window_bounds = array<i64: 64, 128>}, {transform_indices = @transform_1, window_bounds = array<i64: 8192, 128>}, {transform_indices = @transform_2, window_bounds = array<i64: 256, 128>}, {pipeline_mode = #tpu.pipeline_mode<synchronous>, transform_indices = @transform_3, window_bounds = array<i64: 50, 128>}, {pipeline_mode = #tpu.pipeline_mode<synchronous>, transform_indices = @transform_4, window_bounds = array<i64: 128>}, {pipeline_mode = #tpu.pipeline_mode<synchronous>, transform_indices = @transform_5, window_bounds = array<i64: 128, 128>}, {pipeline_mode = #tpu.pipeline_mode<synchronous>, transform_indices = @transform_6, window_bounds = array<i64: 128>}, {pipeline_mode = #tpu.pipeline_mode<synchronous>, transform_indices = @transform_7, window_bounds = array<i64: 128, 128>}, {pipeline_mode = #tpu.pipeline_mode<synchronous>, transform_indices = @transform_8, window_bounds = array<i64: 128>}, {pipeline_mode = #tpu.pipeline_mode<synchronous>, transform_indices = @transform_9, window_bounds = array<i64: 128, 128>}, {pipeline_mode = #tpu.pipeline_mode<synchronous>, transform_indices = @transform_10, window_bounds = array<i64: 128>}, {transform_indices = @transform_11, window_bounds = array<i64: 256, 128>}]} {
    %get3A = arith.constant 0 : index
    %get3A_0 = arith.constant 0 : index
    %get3A_1 = vector.load %arg1[%get3A, %get3A_0] : memref<64x128xf32, #tpu.memory_space<vmem>>, vector<64x128xf32>
    %reshape3A = vector.shape_cast %get3A_1 : vector<64x128xf32> to vector<64x1x128xf32>
    %broadcast_in_dim3A = vector.shape_cast %reshape3A : vector<64x1x128xf32> to vector<64x1x128xf32>
    %broadcast_in_dim3A_2 = vector.broadcast %broadcast_in_dim3A : vector<64x1x128xf32> to vector<64x128x128xf32>
    %reshape3A_3 = vector.shape_cast %broadcast_in_dim3A_2 : vector<64x128x128xf32> to vector<8192x128xf32>
    %iota3A = tpu.iota {dimensions = array<i32: 1>} : vector<8192x128xi32>
    %iota3A_4 = tpu.iota {dimensions = array<i32: 0>} : vector<8192x128xi32>
    %jit3A = arith.constant 128 : i32
    %eq3A = arith.constant 0 : i32
    %eq3A_5 = arith.cmpi eq, %jit3A, %eq3A : i32
    %jit3A_6 = arith.constant 1 : i32
    %select_n3A = arith.select %eq3A_5, %jit3A_6, %jit3A : i32
    %rem3A = vector.broadcast %select_n3A : i32 to vector<8192x128xi32>
    %rem3A_7 = arith.remsi %iota3A_4, %rem3A : vector<8192x128xi32>
    %ne3A = arith.constant 0 : i32
    %ne3A_8 = vector.broadcast %ne3A : i32 to vector<8192x128xi32>
    %ne3A_9 = arith.cmpi ne, %rem3A_7, %ne3A_8 : vector<8192x128xi32>
    %lt3A = arith.constant 0 : i32
    %lt3A_10 = vector.broadcast %lt3A : i32 to vector<8192x128xi32>
    %lt3A_11 = arith.cmpi slt, %rem3A_7, %lt3A_10 : vector<8192x128xi32>
    %lt3A_12 = arith.constant 0 : i32
    %lt3A_13 = arith.cmpi slt, %select_n3A, %lt3A_12 : i32
    %ne3A_14 = vector.broadcast %lt3A_13 : i1 to vector<8192x128xi1>
    %ne3A_15 = vector.broadcast %ne3A_14 : vector<8192x128xi1> to vector<8192x128xi1>
    %ne3A_16 = arith.xori %lt3A_11, %ne3A_15 : vector<8192x128xi1>
    %and3A = arith.andi %ne3A_16, %ne3A_9 : vector<8192x128xi1>
    %add3A = vector.broadcast %select_n3A : i32 to vector<8192x128xi32>
    %add3A_17 = arith.addi %rem3A_7, %add3A : vector<8192x128xi32>
    %select_n3A_18 = arith.select %and3A, %add3A_17, %rem3A_7 : vector<8192x128xi1>, vector<8192x128xi32>
    %eq3A_19 = arith.cmpi eq, %iota3A, %select_n3A_18 : vector<8192x128xi32>
    %jit3A_20 = arith.constant 0.000000e+00 : f32
    %broadcast_in_dim3A_21 = vector.broadcast %jit3A_20 : f32 to vector<8192x128xf32>
    %select_n3A_22 = arith.select %eq3A_19, %reshape3A_3, %broadcast_in_dim3A_21 : vector<8192x128xi1>, vector<8192x128xf32>
    %reduce_sum3A = arith.constant dense<0.000000e+00> : vector<8192xf32>
    %reduce_sum3A_23 = vector.multi_reduction <add>, %select_n3A_22, %reduce_sum3A [1] : vector<8192x128xf32> to vector<8192xf32>
    %broadcast_in_dim3A_24 = vector.shape_cast %reduce_sum3A_23 : vector<8192xf32> to vector<8192x1xf32>
    %sqrt3A = math.sqrt %broadcast_in_dim3A_24 : vector<8192x1xf32>
    %iota3A_25 = tpu.iota {dimensions = array<i32: 1>} : vector<1x50xi32>
    %convert_element_type3A = arith.sitofp %iota3A_25 : vector<1x50xi32> to vector<1x50xf32>
    %mul3A = arith.constant 0.0959183648 : f32
    %mul3A_26 = vector.broadcast %mul3A : f32 to vector<1x50xf32>
    %mul3A_27 = arith.mulf %convert_element_type3A, %mul3A_26 : vector<1x50xf32>
    %sub3A = vector.broadcast %sqrt3A : vector<8192x1xf32> to vector<8192x50xf32>
    %sub3A_28 = vector.broadcast %mul3A_27 : vector<1x50xf32> to vector<8192x50xf32>
    %sub3A_29 = arith.subf %sub3A, %sub3A_28 : vector<8192x50xf32>
    %integer_pow3A = arith.mulf %sub3A_29, %sub3A_29 : vector<8192x50xf32>
    %mul3A_30 = arith.constant -54.3458595 : f32
    %mul3A_31 = vector.broadcast %mul3A_30 : f32 to vector<8192x50xf32>
    %mul3A_32 = arith.mulf %mul3A_31, %integer_pow3A : vector<8192x50xf32>
    %exp3A = math.exp %mul3A_32 : vector<8192x50xf32>
    %get3A_33 = arith.constant 0 : index
    %get3A_34 = arith.constant 0 : index
    %get3A_35 = vector.load %arg4[%get3A_33, %get3A_34] : memref<50x128xf32, #tpu.memory_space<vmem>>, vector<50x128xf32>
    %dot_general3A = arith.constant dense<0.000000e+00> : vector<8192x128xf32>
    %dot_general3A_36 = tpu.matmul %exp3A, %get3A_35, %dot_general3A {dimension_numbers = #tpu.dot_dimension_numbers<[1], [0], [0], [1], [0, 0, 1, 1], [], []>, transpose_lhs_hint = false} : vector<8192x50xf32>, vector<50x128xf32>, vector<8192x128xf32> -> vector<8192x128xf32>
    %get3A_37 = arith.constant 0 : index
    %get3A_38 = vector.load %arg5[%get3A_37] : memref<128xf32, #tpu.memory_space<vmem>>, vector<128xf32>
    %broadcast_in_dim3A_39 = vector.shape_cast %get3A_38 : vector<128xf32> to vector<1x128xf32>
    %add3A_40 = vector.broadcast %broadcast_in_dim3A_39 : vector<1x128xf32> to vector<8192x128xf32>
    %add3A_41 = arith.addf %dot_general3A_36, %add3A_40 : vector<8192x128xf32>
    %custom_jvp_call3A = arith.constant 0.000000e+00 : f32
    %max3A = vector.broadcast %custom_jvp_call3A : f32 to vector<8192x128xf32>
    %max3A_42 = arith.maximumf %add3A_41, %max3A : vector<8192x128xf32>
    %sub3A_43 = vector.broadcast %custom_jvp_call3A : f32 to vector<8192x128xf32>
    %sub3A_44 = arith.subf %add3A_41, %sub3A_43 : vector<8192x128xf32>
    %ne3A_45 = arith.cmpf one, %sub3A_44, %sub3A_44 : vector<8192x128xf32>
    %add3A_46 = vector.broadcast %custom_jvp_call3A : f32 to vector<8192x128xf32>
    %add3A_47 = arith.addf %add3A_41, %add3A_46 : vector<8192x128xf32>
    %abs3A = math.absf %sub3A_44 : vector<8192x128xf32>
    %neg3A = arith.constant 0.000000e+00 : f32
    %neg3A_48 = vector.broadcast %neg3A : f32 to vector<8192x128xf32>
    %neg3A_49 = arith.subf %neg3A_48, %abs3A : vector<8192x128xf32>
    %exp3A_50 = math.exp %neg3A_49 : vector<8192x128xf32>
    %log1p3A = math.log1p %exp3A_50 : vector<8192x128xf32>
    %add3A_51 = arith.addf %max3A_42, %log1p3A : vector<8192x128xf32>
    %select_n3A_52 = arith.select %ne3A_45, %add3A_47, %add3A_51 : vector<8192x128xi1>, vector<8192x128xf32>
    %sub3A_53 = arith.constant 0.693147182 : f32
    %sub3A_54 = vector.broadcast %sub3A_53 : f32 to vector<8192x128xf32>
    %sub3A_55 = arith.subf %select_n3A_52, %sub3A_54 : vector<8192x128xf32>
    %get3A_56 = arith.constant 0 : index
    %get3A_57 = arith.constant 0 : index
    %get3A_58 = vector.load %arg6[%get3A_56, %get3A_57] : memref<128x128xf32, #tpu.memory_space<vmem>>, vector<128x128xf32>
    %dot_general3A_59 = arith.constant dense<0.000000e+00> : vector<8192x128xf32>
    %dot_general3A_60 = tpu.matmul %sub3A_55, %get3A_58, %dot_general3A_59 {dimension_numbers = #tpu.dot_dimension_numbers<[1], [0], [0], [1], [0, 0, 1, 1], [], []>, transpose_lhs_hint = false} : vector<8192x128xf32>, vector<128x128xf32>, vector<8192x128xf32> -> vector<8192x128xf32>
    %get3A_61 = arith.constant 0 : index
    %get3A_62 = vector.load %arg7[%get3A_61] : memref<128xf32, #tpu.memory_space<vmem>>, vector<128xf32>
    %broadcast_in_dim3A_63 = vector.shape_cast %get3A_62 : vector<128xf32> to vector<1x128xf32>
    %add3A_64 = vector.broadcast %broadcast_in_dim3A_63 : vector<1x128xf32> to vector<8192x128xf32>
    %add3A_65 = arith.addf %dot_general3A_60, %add3A_64 : vector<8192x128xf32>
    %le3A = arith.constant 4.700000e+00 : f32
    %le3A_66 = vector.broadcast %le3A : f32 to vector<8192x1xf32>
    %le3A_67 = arith.cmpf ole, %sqrt3A, %le3A_66 : vector<8192x1xf32>
    %convert_element_type3A_68 = arith.extui %le3A_67 : vector<8192x1xi1> to vector<8192x1xi32>
    %convert_element_type3A_69 = arith.sitofp %convert_element_type3A_68 : vector<8192x1xi32> to vector<8192x1xf32>
    %mul3A_70 = arith.constant 0.66842395 : f32
    %mul3A_71 = vector.broadcast %mul3A_70 : f32 to vector<8192x1xf32>
    %mul3A_72 = arith.mulf %sqrt3A, %mul3A_71 : vector<8192x1xf32>
    %cos3A = math.cos %mul3A_72 : vector<8192x1xf32>
    %add3A_73 = arith.constant 1.000000e+00 : f32
    %add3A_74 = vector.broadcast %add3A_73 : f32 to vector<8192x1xf32>
    %add3A_75 = arith.addf %cos3A, %add3A_74 : vector<8192x1xf32>
    %mul3A_76 = arith.constant 5.000000e-01 : f32
    %mul3A_77 = vector.broadcast %mul3A_76 : f32 to vector<8192x1xf32>
    %mul3A_78 = arith.mulf %mul3A_77, %add3A_75 : vector<8192x1xf32>
    %mul3A_79 = arith.mulf %mul3A_78, %convert_element_type3A_69 : vector<8192x1xf32>
    %get3A_80 = arith.constant 0 : index
    %get3A_81 = arith.constant 0 : index
    %get3A_82 = vector.load %arg2[%get3A_80, %get3A_81] : memref<8192x128xbf16, #tpu.memory_space<vmem>>, vector<8192x128xbf16>
    %convert_element_type3A_83 = arith.extf %get3A_82 : vector<8192x128xbf16> to vector<8192x128xf32>
    %mul3A_84 = vector.broadcast %mul3A_79 : vector<8192x1xf32> to vector<8192x128xf32>
    %mul3A_85 = arith.mulf %add3A_65, %mul3A_84 : vector<8192x128xf32>
    %mul3A_86 = arith.mulf %convert_element_type3A_83, %mul3A_85 : vector<8192x128xf32>
    %reshape3A_87 = vector.shape_cast %mul3A_86 : vector<8192x128xf32> to vector<256x32x128xf32>
    %reduce_sum3A_88 = arith.constant dense<0.000000e+00> : vector<256x128xf32>
    %reduce_sum3A_89 = vector.multi_reduction <add>, %reshape3A_87, %reduce_sum3A_88 [1] : vector<256x32x128xf32> to vector<256x128xf32>
    %get3A_90 = arith.constant 0 : index
    %get3A_91 = arith.constant 0 : index
    %get3A_92 = vector.load %arg8[%get3A_90, %get3A_91] : memref<128x128xf32, #tpu.memory_space<vmem>>, vector<128x128xf32>
    %dot_general3A_93 = arith.constant dense<0.000000e+00> : vector<256x128xf32>
    %dot_general3A_94 = tpu.matmul %reduce_sum3A_89, %get3A_92, %dot_general3A_93 {dimension_numbers = #tpu.dot_dimension_numbers<[1], [0], [0], [1], [0, 0, 1, 1], [], []>, transpose_lhs_hint = false} : vector<256x128xf32>, vector<128x128xf32>, vector<256x128xf32> -> vector<256x128xf32>
    %get3A_95 = arith.constant 0 : index
    %get3A_96 = vector.load %arg9[%get3A_95] : memref<128xf32, #tpu.memory_space<vmem>>, vector<128xf32>
    %broadcast_in_dim3A_97 = vector.shape_cast %get3A_96 : vector<128xf32> to vector<1x128xf32>
    %add3A_98 = vector.broadcast %broadcast_in_dim3A_97 : vector<1x128xf32> to vector<256x128xf32>
    %add3A_99 = arith.addf %dot_general3A_94, %add3A_98 : vector<256x128xf32>
    %custom_jvp_call3A_100 = arith.constant 0.000000e+00 : f32
    %max3A_101 = vector.broadcast %custom_jvp_call3A_100 : f32 to vector<256x128xf32>
    %max3A_102 = arith.maximumf %add3A_99, %max3A_101 : vector<256x128xf32>
    %sub3A_103 = vector.broadcast %custom_jvp_call3A_100 : f32 to vector<256x128xf32>
    %sub3A_104 = arith.subf %add3A_99, %sub3A_103 : vector<256x128xf32>
    %ne3A_105 = arith.cmpf one, %sub3A_104, %sub3A_104 : vector<256x128xf32>
    %add3A_106 = vector.broadcast %custom_jvp_call3A_100 : f32 to vector<256x128xf32>
    %add3A_107 = arith.addf %add3A_99, %add3A_106 : vector<256x128xf32>
    %abs3A_108 = math.absf %sub3A_104 : vector<256x128xf32>
    %neg3A_109 = arith.constant 0.000000e+00 : f32
    %neg3A_110 = vector.broadcast %neg3A_109 : f32 to vector<256x128xf32>
    %neg3A_111 = arith.subf %neg3A_110, %abs3A_108 : vector<256x128xf32>
    %exp3A_112 = math.exp %neg3A_111 : vector<256x128xf32>
    %log1p3A_113 = math.log1p %exp3A_112 : vector<256x128xf32>
    %add3A_114 = arith.addf %max3A_102, %log1p3A_113 : vector<256x128xf32>
    %select_n3A_115 = arith.select %ne3A_105, %add3A_107, %add3A_114 : vector<256x128xi1>, vector<256x128xf32>
    %sub3A_116 = arith.constant 0.693147182 : f32
    %sub3A_117 = vector.broadcast %sub3A_116 : f32 to vector<256x128xf32>
    %sub3A_118 = arith.subf %select_n3A_115, %sub3A_117 : vector<256x128xf32>
    %get3A_119 = arith.constant 0 : index
    %get3A_120 = arith.constant 0 : index
    %get3A_121 = vector.load %arg3[%get3A_119, %get3A_120] : memref<256x128xf32, #tpu.memory_space<vmem>>, vector<256x128xf32>
    %get3A_122 = arith.constant 0 : index
    %get3A_123 = arith.constant 0 : index
    %get3A_124 = vector.load %arg10[%get3A_122, %get3A_123] : memref<128x128xf32, #tpu.memory_space<vmem>>, vector<128x128xf32>
    %dot_general3A_125 = arith.constant dense<0.000000e+00> : vector<256x128xf32>
    %dot_general3A_126 = tpu.matmul %sub3A_118, %get3A_124, %dot_general3A_125 {dimension_numbers = #tpu.dot_dimension_numbers<[1], [0], [0], [1], [0, 0, 1, 1], [], []>, transpose_lhs_hint = false} : vector<256x128xf32>, vector<128x128xf32>, vector<256x128xf32> -> vector<256x128xf32>
    %add3A_127 = arith.addf %get3A_121, %dot_general3A_126 : vector<256x128xf32>
    %get3A_128 = arith.constant 0 : index
    %get3A_129 = vector.load %arg11[%get3A_128] : memref<128xf32, #tpu.memory_space<vmem>>, vector<128xf32>
    %broadcast_in_dim3A_130 = vector.shape_cast %get3A_129 : vector<128xf32> to vector<1x128xf32>
    %add3A_131 = vector.broadcast %broadcast_in_dim3A_130 : vector<1x128xf32> to vector<256x128xf32>
    %add3A_132 = arith.addf %add3A_127, %add3A_131 : vector<256x128xf32>
    %swap3A = arith.constant 0 : index
    %swap3A_133 = arith.constant 0 : index
    %swap3A_134 = vector.load %arg12[%swap3A, %swap3A_133] : memref<256x128xf32, #tpu.memory_space<vmem>>, vector<256x128xf32>
    tpu.vector_store %arg12[%swap3A, %swap3A_133], %add3A_132 {strides = array<i32>} : memref<256x128xf32, #tpu.memory_space<vmem>>, vector<256x128xf32>,
    return
  }
  func.func @transform_0(%arg0: i32) -> (i32, i32) {
    %c0_i32 = arith.constant 0 : i32
    %c0_i32_0 = arith.constant 0 : i32
    return %arg0, %c0_i32 : i32, i32
  }
  func.func @transform_1(%arg0: i32) -> (i32, i32) {
    %c0_i32 = arith.constant 0 : i32
    %c0_i32_0 = arith.constant 0 : i32
    return %arg0, %c0_i32 : i32, i32
  }
  func.func @transform_2(%arg0: i32) -> (i32, i32) {
    %c0_i32 = arith.constant 0 : i32
    %c0_i32_0 = arith.constant 0 : i32
    return %arg0, %c0_i32 : i32, i32
  }
  func.func @transform_3(%arg0: i32) -> (i32, i32) {
    %c0_i32 = arith.constant 0 : i32
    %c0_i32_0 = arith.constant 0 : i32
    %c0_i32_1 = arith.constant 0 : i32
    return %c0_i32, %c0_i32_0 : i32, i32
  }
  func.func @transform_4(%arg0: i32) -> i32 {
    %c0_i32 = arith.constant 0 : i32
    %c0_i32_0 = arith.constant 0 : i32
    return %c0_i32 : i32
  }
  func.func @transform_5(%arg0: i32) -> (i32, i32) {
    %c0_i32 = arith.constant 0 : i32
    %c0_i32_0 = arith.constant 0 : i32
    %c0_i32_1 = arith.constant 0 : i32
    return %c0_i32, %c0_i32_0 : i32, i32
  }
  func.func @transform_6(%arg0: i32) -> i32 {
    %c0_i32 = arith.constant 0 : i32
    %c0_i32_0 = arith.constant 0 : i32
    return %c0_i32 : i32
  }
  func.func @transform_7(%arg0: i32) -> (i32, i32) {
    %c0_i32 = arith.constant 0 : i32
    %c0_i32_0 = arith.constant 0 : i32
    %c0_i32_1 = arith.constant 0 : i32
    return %c0_i32, %c0_i32_0 : i32, i32
  }
  func.func @transform_8(%arg0: i32) -> i32 {
    %c0_i32 = arith.constant 0 : i32
    %c0_i32_0 = arith.constant 0 : i32
    return %c0_i32 : i32
  }
  func.func @transform_9(%arg0: i32) -> (i32, i32) {
    %c0_i32 = arith.constant 0 : i32
    %c0_i32_0 = arith.constant 0 : i32
    %c0_i32_1 = arith.constant 0 : i32
    return %c0_i32, %c0_i32_0 : i32, i32
  }
  func.func @transform_10(%arg0: i32) -> i32 {
    %c0_i32 = arith.constant 0 : i32
    %c0_i32_0 = arith.constant 0 : i32
    return %c0_i32 : i32
  }
  func.func @transform_11(%arg0: i32) -> (i32, i32) {
    %c0_i32 = arith.constant 0 : i32
    %c0_i32_0 = arith.constant 0 : i32
    return %arg0, %c0_i32 : i32, i32
  }
}

</mosaic_0001>

<sc_bundles>
// kernel: kernel.10.cloned.1.call-start
scs
__scs_entry_jumppad:
0x0: {  	(pc) =	sbr.rel $0x88, $3  }
0x1: {  	(tag) =	ssettag $0x0;
	lr =	simm.s32 $0x1  }
0x2: {  	[smem:$0x3F91] =	sst lr;
	_ =	strace $0xD0000000  }
0x3: {  	_ = 	snop  }
0x4: {  	_ = 	snop  }
0x5: {  	_ = 	snop  }
0x6: {  	_ = 	snop  }
0x7: {  	_ = 	snop  }
__scs_overlays_trampoline_lowered:
0x8: {  	[smem:$0x3FA0] =	sst s0  }
0x9: {  	[smem:$0x3FA1] =	sst s1  }
0xa: {  	[smem:$0x3FA2] =	sst s2  }
0xb: {  	[smem:$0x3FA3] =	sst s3  }
0xc: {  	[smem:$0x3FA4] =	sst s4  }
0xd: {  	[smem:$0x3FA5] =	sst s5  }
0xe: {  	[smem:$0x3FA6] =	sst s6  }
0xf: {  	[smem:$0x3FA7] =	sst s7  }
0x10: {  	[smem:$0x3FA8] =	sst s8  }
0x11: {  	[smem:$0x3FA9] =	sst s9;
	s0 =	simm.s32 @!p0 $0x0  }
0x12: {  	s1 =	sld [smem:$0x3F8F];
	s0 =	simm.s32 @p0 $0x1  }
0x13: {  	[smem:$0x3FAA] =	sst s0;
	s0 =	simm.s32 @!p1 $0x0  }
0x14: {  	s2 =	sld [smem:$0x3F8E];
	s0 =	simm.s32 @p1 $0x1  }
0x15: {  	[smem:$0x3FAB] =	sst s0;
	s0 =	simm.s32 @!p2 $0x0  }
0x16: {  	s3 =	sld [smem:$0x3FDB];
	s0 =	simm.s32 @p2 $0x1  }
0x17: {  	s4 =	simm.s32 $0x1BF5;
	[smem:$0x3FAD] =	sst s0  }
0x18: {  	s0 =	sld [smem:$0x3F90];
	_ =	swait.ge [sflag:s4], $0x0  }
0x19: {  	s7 =	sld [smem:$0x3F91]  }
0x1a: {  	s8 =	sadd.s32 $0xFFFFE003, lr  }
0x1b: {  	s9 =	sadd.s32 $0xFFFFFEF7, lr;
	s5 =	simm.s32 $0xFFFFFFFF;
	p2 =	slt.u32 s8, $0xFFFFF086  }
0x1c: {  	p1 =	slt.u32 s9, $0xF7A;
	s5 =	simm.s32 @!p2 $0x0  }
0x1d: {  	s5 =	simm.s32 @p1 $0x1;
	p0 =	seq.s32 s7, s2  }
0x1e: {  	s7 =	smul.u32 @!p0 $0xF7A, s2;
	p2 =	seq.s32 @!p0 s5, $0x0  }
0x1f: {  	s9 =	smul.u32 $0xF7A, s1;
	s8 =	simm.s32 @!p0 $0x1BF5;
	p2 =	por !p2, p0  }
0x20: {  	[sflag:s8] =	ssyncset.s32 @!p0 $0xFFFFF086;
	s6 =	sadd.s32 @!p0 s3, s7;
	s7 =	simm.s32 @!p0 $0x108  }
0x21: {  	s3 =	sadd.s32 s3, s9;
	s6 =	sadd.s32 @!p0 $0x88, s6;
	s7 =	simm.s32 @p2 $0x1082  }
0x22: {  	[simem:s7], [sflag:s8] =	dma.local @!p0 [hbm:s6], $0xF7A  }
0x23: {  	s9 =	sor.u32 $0xD0000000, s2;
	s6 =	simm.s32 $0x108;
	_ =	swait.ge @!p0 [sflag:s8], $0x0  }
0x24: {  	s3 =	sadd.s32 $0x88, s3;
	s6 =	simm.s32 @!p1 $0x1082;
	[sflag:s4] =	ssyncset.s32 $0xFFFFF086  }
0x25: {  	[simem:s6], [sflag:s4] =	dma.local [hbm:s3], $0xF7A  }
0x26: {  	[smem:$0x3F91] =	sst s1;
	(tag) =	ssettag s2;
	_ =	strace s9  }
0x27: {  	s1 =	sld [smem:$0x3FA1]  }
0x28: {  	s2 =	sld [smem:$0x3FA2]  }
0x29: {  	s4 =	sld [smem:$0x3FA4]  }
0x2a: {  	p0 =	seq.s32 s5, $0x0;
	s5 =	sld [smem:$0x3FA5]  }
0x2b: {  	s6 =	sld [smem:$0x3FA6]  }
0x2c: {  	s7 =	sld [smem:$0x3FA7]  }
0x2d: {  	s3 =	simm.s32 $0x108;
	s8 =	sld [smem:$0x3FA8]  }
0x2e: {  	s3 =	simm.s32 @!p0 $0x1082;
	s9 =	sld [smem:$0x3FA9]  }
0x2f: {  	lr =	sadd.s32 s0, s3;
	s0 =	sld [smem:$0x3FA0]  }
0x30: {  	s3 =	sld [smem:$0x3FA3]  }
0x31: {  	[smem:$0x3FAC] =	sst s10  }
0x32: {  	s10 =	sld [smem:$0x3FAA];
	_ =	sdelay $0x3  }
0x33: {  	p0 =	seq.s32 s10, $0x1;
	s10 =	sld [smem:$0x3FAC];
	_ =	sdelay $0x3  }
0x34: {  	[smem:$0x3FAC] =	sst s10  }
0x35: {  	s10 =	sld [smem:$0x3FAB];
	_ =	sdelay $0x3  }
0x36: {  	p1 =	seq.s32 s10, $0x1;
	s10 =	sld [smem:$0x3FAC];
	_ =	sdelay $0x3  }
0x37: {  	[smem:$0x3FAC] =	sst s10  }
0x38: {  	s10 =	sld [smem:$0x3FAD]  }
0x39: {  	_ = 	snop;
	(pc) =	sbr.ind lr, $3  }
0x3a: {  	_ = 	snop  }
0x3b: {  	_ = 	snop  }
0x3c: {  	p2 =	seq.s32 s10, $0x1;
	s10 =	sld [smem:$0x3FAC]  }
0x3d: {  	_ =	shalt  }
0x3e: {  	_ =	shalt  }
0x3f: {  	_ =	shalt  }
0x40: {  	_ =	shalt  }
0x41: {  	_ =	shalt  }
0x42: {  	_ =	shalt  }
0x43: {  	_ =	shalt  }
0x44: {  	_ =	shalt  }
0x45: {  	_ =	shalt  }
0x46: {  	_ =	shalt  }
0x47: {  	_ =	shalt  }
0x48: {  	_ =	shalt  }
0x49: {  	_ =	shalt  }
0x4a: {  	_ =	shalt  }
0x4b: {  	_ =	shalt  }
0x4c: {  	_ =	shalt  }
0x4d: {  	_ =	shalt  }
0x4e: {  	_ =	shalt  }
0x4f: {  	_ =	shalt  }
0x50: {  	_ =	shalt  }
0x51: {  	_ =	shalt  }
0x52: {  	_ =	shalt  }
0x53: {  	_ =	shalt  }
0x54: {  	_ =	shalt  }
0x55: {  	_ =	shalt  }
0x56: {  	_ =	shalt  }
0x57: {  	_ =	shalt  }
0x58: {  	_ =	shalt  }
0x59: {  	_ =	shalt  }
0x5a: {  	_ =	shalt  }
0x5b: {  	_ =	shalt  }
0x5c: {  	_ =	shalt  }
0x5d: {  	_ =	shalt  }
0x5e: {  	_ =	shalt  }
0x5f: {  	_ =	shalt  }
0x60: {  	_ =	shalt  }
0x61: {  	_ =	shalt  }
0x62: {  	_ =	shalt  }
0x63: {  	_ =	shalt  }
0x64: {  	_ =	shalt  }
0x65: {  	_ =	shalt  }
0x66: {  	_ =	shalt  }
0x67: {  	_ =	shalt  }
0x68: {  	_ =	shalt  }
0x69: {  	_ =	shalt  }
0x6a: {  	_ =	shalt  }
0x6b: {  	_ =	shalt  }
0x6c: {  	_ =	shalt  }
0x6d: {  	_ =	shalt  }
0x6e: {  	_ =	shalt  }
0x6f: {  	_ =	shalt  }
0x70: {  	_ =	shalt  }
0x71: {  	_ =	shalt  }
0x72: {  	_ =	shalt  }
0x73: {  	_ =	shalt  }
0x74: {  	_ =	shalt  }
0x75: {  	_ =	shalt  }
0x76: {  	_ =	shalt  }
0x77: {  	_ =	shalt  }
0x78: {  	_ =	shalt  }
0x79: {  	_ =	shalt  }
0x7a: {  	_ =	shalt  }
0x7b: {  	_ =	shalt  }
0x7c: {  	_ =	shalt  }
0x7d: {  	_ =	shalt  }
0x7e: {  	_ =	shalt  }
0x7f: {  	_ =	shalt  }
0x80: {  	_ =	shalt  }
0x81: {  	_ =	shalt  }
0x82: {  	_ =	shalt  }
0x83: {  	_ =	shalt  }
0x84: {  	_ =	shalt  }
0x85: {  	_ =	shalt  }
0x86: {  	_ =	shalt  }
0x87: {  	_ =	shalt  }
.Lfunc_end0:
.L_simem_size_0:
called_computation_lowered:
.L_overlay_start_0:
0x88: {  	s2 =	sld [smem:$0x3FD9]  }
0x89: {  	s3 =	sld [smem:$0x3FFE];
	_ =	sdelay $0x1  }
0x8a: {  	s1 =	srdreg.scid  }
0x8b: {  	s0 =	sand.u32 $0x1, s1  }
0x8c: {  	s16 =	sshll.u32 s0, $0xA;
	s2 =	sadd.s32 s3, s2  }
0x8d: {  	s2 =	sadd.s32 s2, s16  }
0x8e: {  	[smem:$0x3FB8] =	sst s2  }
0x8f: {  	_ = 	snop  }
0x90: {  	(tm) =	ssettm $0x1  }
0x91: {  	s17 =	sld [smem:$0x3FFB];
	_ =	sdelay $0x3  }
0x92: {  	_ =	strace s17  }
0x93: {  	s2 =	sld [smem:$0x3FFC];
	_ =	sdelay $0x3  }
0x94: {  	_ =	strace s2  }
0x95: {  	s2 =	sld [smem:$0x3FFD];
	_ =	sdelay $0x3  }
0x96: {  	_ =	strace s2  }
0x97: {  	_ =	strace $0x8FFFFFFF  }
0x98: {  	s18 =	sld [smem:$0x3FDB];
	_ =	sdelay $0x1  }
0x99: {  	s19 =	simm.s32 $_scs_section_size  }
0x9a: {  	s4 =	simm.s32 $_size__tile_overlayer_lowered;
	s5 =	simm.s32 $_tile_overlayer_lowered  }
0x9b: {  	s22 =	simm.s32 $0x1BFF;
	s21 =	sshll.u32 s5, $0x1;
	s2 =	sadd.s32 s19, s18  }
0x9c: {  	s6 =	simm.s32 $0x0;
	s20 =	sshll.u32 s4, $0x1;
	s4 =	sadd.s32 s21, s2  }
0x9d: {  	[timem:s6], [sflag:s22] =	dma.local [hbm:s4], s20  }
0x9e: {  	_ =	swait.ge [sflag:s22], s20  }
0x9f: {  	s3 =	ssub.s32 $0x0, s20;
	[sflag:s22] =	ssyncset.done $0x0  }
0xa0: {  	[sflag:s22] =	ssyncadd.s32 s3;
	_ =	sdelay $0x1  }
0xa1: {  	s23 =	simm.s32 $0x1B8B  }
0xa2: {  	_ =	swait.ge [sflag:s23], $0x1  }
0xa3: {  	[sflag:s23] =	ssyncset.done $0x0  }
0xa4: {  	s25 =	simm.s32 $0x1B8E;
	s24 =	sld [smem:$0x3FFE];
	[sflag:s23] =	ssyncadd.s32 $0xFFFFFFFF  }
0xa5: {  	s26 =	simm.s32 $execute0_lowered;
	[smem:$0x3FD2] =	sst s25  }
0xa6: {  	s4 =	sshll.u32 s26, $0x1;
	_ =	strace $0x80000046;
	[dreg:$0x1] =	wrdreg $0xFFFFFFFF  }
0xa7: {  	s28 =	simm.s32 $_size_execute0_lowered;
	s2 =	sadd.s32 s2, s4;
	[dreg:$0x0] =	wrdreg $0x0  }
0xa8: {  	s4 =	sshll.u32 s28, $0x1;
	[dreg:$0x2] =	wrdreg s2  }
0xa9: {  	[dreg:$0x3] =	wrdreg s4  }
0xaa: {  	[dreg:$0x4] =	wrdreg $0xC0  }
0xab: {  	_ =	task [dreg:s6], $0x5FFFF  }
0xac: {  	[dreg:$0x1] =	wrdreg $0xFFFFFFFF  }
0xad: {  	[dreg:$0x0] =	wrdreg $0x60  }
0xae: {  	[dreg:$0x2] =	wrdreg s24  }
0xaf: {  	[dreg:$0x3] =	wrdreg $0x9  }
0xb0: {  	_ =	task.clear_ibuf [dreg:s6], $0x4FFFF;
	_ =	strace $0x90000046  }
0xb1: {  	s29 =	simm.s32 $0x9;
	_ =	strace $0x80000048  }
0xb2: {  	_ =	swait.ge [sflag:s29], $0x1  }
0xb3: {  	[sflag:s29] =	ssyncadd.s32 $0xFFFFFFFF  }
0xb4: {  	_ =	strace $0x90000048  }
0xb5: {  	_ =	sfence  }
0xb6: {  	s30 =	sld [smem:$0x0];
	_ =	sdelay $0x2  }
0xb7: {  	s31 =	sshll.u32 s1, $0xD;
	s1 =	sshrl.u32 s1, $0x2  }
0xb8: {  	s3 =	sand.u32 $0x4000, s31;
	s1 =	sadd.s32 s1, s30  }
0xb9: {  	s0 =	sor.u32 s3, s0;
	s1 =	sshll.u32 s1, $0x11  }
0xba: {  	s0 =	sor.u32 s1, s0  }
0xbb: {  	s0 =	sadd.s32 $0x8F2B, s0  }
0xbc: {  	[sflag:s0] =	ssyncadd.remote.s32 $0x1  }
0xbd: {  	_ =	sfence.sel $0xFFFF  }
0xbe: {  	[dreg:$0x0] =	wrdreg $0xFFFFFFFF;
	(pc) =	sbr.abs _section_cstart, $3  }
0xbf: {  	[dreg:$0x1] =	wrdreg $0xFFFFFFFF  }
0xc0: {  	_ =	task.clear_ibuf [dreg:s6], $0x2FFFF;
	_ =	strace $0x9FFFFFFF  }
0xc1: {  	(tm) =	ssettm $0x7FFFFFFF  }
tec
execute0_lowered:
.L_overlay_start_1:
0x0: {  	(tag) =	ssettag $0x1  }
0x1: {  	s5 =	rddreg [dreg:$0x0]  }
0x2: {  	s0 =	rddreg [dreg:$0x1]  }
0x3: {  	s2 =	simm.s32 $0x0;
	s3 =	srdreg.scid;
	s1 =	stileid.u32  }
0x4: {  	s10 =	simm.s32 $0x1;
	s11 =	simm.s32 $0x2800;
	s12 =	simm.s32 $0x2880  }
0x5: {  	s13 =	simm.s32 $0x2900;
	s14 =	simm.s32 $0x2980;
	s15 =	simm.s32 $0x0  }
0x6: {  	[smem:$0x7FF] =	sst s2;
	s6 =	sand.u32 $0x1, s3;
	s3 =	sadd.s32 $0xAA00, s5  }
0x7: {  	s8 =	sshll.u32 s1, $0x1;
	s4 =	sadd.s32 $0xCB2A00, s5;
	s7 =	ssub.s32 $0x2, s6  }
0x8: {  	s5 =	sadd.s32 $0xC8AA00, s5;
	_ =	strace $0x80000047;
	s9 =	sshrl.u32 s7, $0x1  }
0x9: {  	s6 =	sor.u32 s6, s8;
	s8 =	simm.s32 $0x80;
	s7 =	ssub.s32 s7, s9  }
0xa: {  	v0 =	vimm.s32 $0x0;
	v1 =	vimm.f32 $1.000000020e+30;
	v2 =	vlaneseq.u32;
	s6 =	smul.u32 $0x140, s6;
	s9 =	simm.s32 $0x400;
	s7 =	smax.u32 s7, $0x1  }
.LBB2_1:
0xb: {  	[tilespmem:$0x2880] =	vst v0  }
0xc: {  	[tilespmem:$0x2890] =	vst v0  }
0xd: {  	[tilespmem:$0x28A0] =	vst v0  }
0xe: {  	[tilespmem:$0x28B0] =	vst v0  }
0xf: {  	[tilespmem:$0x28C0] =	vst v0  }
0x10: {  	[tilespmem:$0x28D0] =	vst v0;
	s16 =	simm.s32 $0x0  }
.LBB2_2:
0x11: {  	s17 =	sadd.s32 s6, s16  }
0x12: {  	s17 =	sshrl.u32 s17, $0x3  }
0x13: {  	s18 =	sshll.u32 s16, $0x7;
	s19 =	smul.u32 $0x14000, s17  }
0x14: {  	s18 =	sand.u32 $0x380, s18  }
0x15: {  	s19 =	sor.u32 s18, s19  }
0x16: {  	s19 =	sshrl.u32 s19, $0x3  }
0x17: {  	s20 =	sadd.s32 s3, s19;
	s19 =	simm.s32 $0x0  }
0x18: {  	[tilespmem:s19], [sflag:$0x1] =	stream.strided.gather [hbm4b:s20+s8], $0x2800, s9, s8, $0x38;
	[tilespmem:$0x2A00] =	vst v63  }
0x19: {  	_ =	swait.ge [sflag:s10], $0x2800  }
0x1a: {  	[sflag:s10] =	ssyncset.done $0x0  }
0x1b: {  	[sflag:s10] =	ssyncadd.s32 $0xFFFFD800  }
0x1c: {  	[tilespmem:$0x2800] =	vst v1  }
0x1d: {  	[tilespmem:$0x2810] =	vst v1  }
0x1e: {  	[tilespmem:$0x2820] =	vst v1  }
0x1f: {  	[tilespmem:$0x2830] =	vst v1  }
0x20: {  	[tilespmem:$0x2840] =	vst v1  }
0x21: {  	[tilespmem:$0x2850] =	vst v1  }
0x22: {  	v3 =	vld [tilespmem:s19+$0x0];
	_ =	sdelay $0x4  }
0x23: {  	vm0 =	vlt.f32 v3, $1.000000020e+30  }
0x24: {  	v4 =	vsel vm0, $0x1, v0  }
0x25: {  	(xrf0) =	vadd.scan.msk.s32 $0xffff, v4;
	_ =	sdelay $0x2  }
0x26: {  	v4 =	vmov s19  }
0x27: {  	v4 =	vadd.s32 $0xFFFFFFFF, v4  }
0x28: {  	v4 =	vbroadcast v4, $0x0  }
0x29: {  	v5, _, _ =	vpop (xrf0)  }
0x2a: {  	v4 =	vadd.s32 v5, v4;
	(v2sf) =	vpush v5, $0xF;
	_ =	sdelay $0x4  }
0x2b: {  	[tilespmem:v4+s11+$0x0] =	vst.idx.msk vm0, v3;
	v3 =	vor.u32 s19, v2  }
0x2c: {  	s20 =	simm.s32 $0x10;
	[tilespmem:v4+s12+$0x0] =	vst.idx.msk vm0, v3  }
0x2d: {  	s22 =	simm.s32 $0x20;
	s21 =	simm.s32 $0x0;
	s23 =	simm.s32 $0x10;
	v3 =	vld [tilespmem:s20+$0x0]  }
.LBB2_3:
0x2e: {  	p0 =	sne.s32 s22, $0x27F0;
	_ =	sdelay $0x3  }
0x2f: {  	vm0 =	vlt.f32 v3, $1.000000020e+30  }
0x30: {  	v4 =	vsel vm0, $0x1, v0  }
0x31: {  	(xrf0) =	vadd.scan.msk.s32 $0xffff, v4  }
0x32: {  	s24 =	spop (v2sf)  }
0x33: {  	v4 =	vimm.f32 $0.0e+00;
	s21 =	sadd.s32 s21, s24  }
0x34: {  	v5 =	vmov s21  }
0x35: {  	v5 =	vadd.s32 $0xFFFFFFFF, v5  }
0x36: {  	v5 =	vbroadcast v5, $0x0  }
0x37: {  	v6, _, _ =	vpop (xrf0)  }
0x38: {  	v5 =	vadd.s32 v6, v5;
	(v2sf) =	vpush v6, $0xF;
	_ =	sdelay $0x2  }
.Ltmp0:
0x39: {  	(pc) =	sbr.rel @p0 .LBB2_3-.Ltmp0, $4  }
0x3a: {  	_ = 	snop  }
0x3b: {  	v6 =	vor.u32 s20, v2;
	s20 =	smov.u32 s22;
	[tilespmem:v5+s11+$0x0] =	vst.idx.msk vm0, v3  }
0x3c: {  	s23 =	sadd.s32 $0x10, s23;
	[tilespmem:v5+s12+$0x0] =	vst.idx.msk vm0, v6  }
0x3d: {  	s22 =	sadd.s32 $0x10, s22;
	v3 =	vld [tilespmem:s23+$0x0]  }
0x3e: {  	_ =	sdelay $0x3  }
0x3f: {  	vm0 =	vlt.f32 v3, $1.000000020e+30  }
0x40: {  	v5 =	vsel vm0, $0x1, v0  }
0x41: {  	(xrf0) =	vadd.scan.msk.s32 $0xffff, v5  }
0x42: {  	s22 =	spop (v2sf)  }
0x43: {  	s21 =	sadd.s32 s21, s22  }
0x44: {  	v5 =	vmov s21  }
0x45: {  	v5 =	vadd.s32 $0xFFFFFFFF, v5  }
0x46: {  	v5 =	vbroadcast v5, $0x0  }
0x47: {  	v6, _, _ =	vpop (xrf0)  }
0x48: {  	v5 =	vadd.s32 v6, v5;
	_ =	sdelay $0x4  }
0x49: {  	v7 =	vor.u32 s20, v2;
	[tilespmem:v5+s11+$0x0] =	vst.idx.msk vm0, v3  }
0x4a: {  	[tilespmem:v5+s12+$0x0] =	vst.idx.msk vm0, v7  }
0x4b: {  	v5 =	vld [tilespmem:$0x2810]  }
0x4c: {  	v7 =	vld [tilespmem:$0x2800]  }
0x4d: {  	v8 =	vld [tilespmem:$0x2820]  }
0x4e: {  	v9 =	vld [tilespmem:$0x2830]  }
0x4f: {  	v10 =	vld [tilespmem:$0x2840]  }
0x50: {  	v11 =	vld [tilespmem:$0x2850]  }
0x51: {  	v3 =	vmin.f32 v7, v5  }
0x52: {  	v3 =	vmin.f32 v3, v8  }
0x53: {  	v3 =	vmin.f32 v3, v9  }
0x54: {  	v3 =	vmin.f32 v3, v10  }
0x55: {  	v3 =	vmin.f32 v3, v11  }
0x56: {  	(xrf0) =	vmin.scan.msk.f32 $0xffff, v3;
	_ =	sdelay $0x3  }
0x57: {  	v12 =	vld [tilespmem:$0x2880]  }
0x58: {  	v3 =	vld [tilespmem:$0x2890]  }
0x59: {  	v13, _, _ =	vpop (xrf0)  }
0x5a: {  	v14 =	vld [tilespmem:$0x28A0];
	v13 =	vbroadcast v13, $0xF;
	_ =	sdelay $0x1  }
0x5b: {  	v16 =	vld [tilespmem:$0x28B0];
	v15 =	vxor.u32 $0x80000000, v12;
	vm9 =	veq.f32 v7, v13  }
0x5c: {  	v3 =	vxor.u32 $0x80000000, v3;
	vm1 =	veq.f32 v5, v13;
	v15 =	vnsel vm9, $0xC0000000, v15  }
0x5d: {  	v17 =	vld [tilespmem:$0x28C0];
	v3 =	vnsel vm1, $0xC0000000, v3;
	(xrf0) =	vmin.scan.msk.u32 $0xffff, v15  }
0x5e: {  	v14 =	vxor.u32 $0x80000000, v14;
	vm3 =	veq.f32 v8, v13;
	(xrf0) =	vmin.scan.msk.u32 $0xffff, v3  }
0x5f: {  	v56 =	vld [tilespmem:$0x28D0];
	v3 =	vnsel vm3, $0xC0000000, v14  }
0x60: {  	v57 =	vxor.u32 $0x80000000, v16;
	vm2 =	veq.f32 v9, v13;
	(xrf0) =	vmin.scan.msk.u32 $0xffff, v3  }
0x61: {  	v3 =	vnsel vm2, $0xC0000000, v57  }
0x62: {  	v58 =	vxor.u32 $0x80000000, v17;
	vm4 =	veq.f32 v10, v13;
	(xrf0) =	vmin.scan.msk.u32 $0xffff, v3  }
0x63: {  	(v2sf) =	vpush v6, $0xF;
	v3 =	vnsel vm4, $0xC0000000, v58;
	v6, _, _ =	vpop (xrf0)  }
0x64: {  	vm5 =	veq.f32 v11, v13;
	v14 =	vxor.u32 $0x80000000, v56;
	(xrf0) =	vmin.scan.msk.u32 $0xffff, v3;
	(v2sf) =	vpush v6, $0xF;
	v6, _, _ =	vpop (xrf0)  }
0x65: {  	v3 =	vnsel vm5, $0xC0000000, v14;
	(v2sf) =	vpush v6, $0xF  }
0x66: {  	(xrf0) =	vmin.scan.msk.u32 $0xffff, v3;
	v6, _, _ =	vpop (xrf0)  }
0x67: {  	(v2sf) =	vpush v6, $0xF  }
0x68: {  	v3, _, _ =	vpop (xrf0)  }
0x69: {  	(v2sf) =	vpush v3, $0xF  }
0x6a: {  	v3, _, _ =	vpop (xrf0)  }
0x6b: {  	(v2sf) =	vpush v3, $0xF  }
0x6c: {  	v3, _, _ =	vpop (xrf0)  }
0x6d: {  	(v2sf) =	vpush v3, $0xF;
	_ =	sdelay $0x4  }
0x6e: {  	s25 =	spop (v2sf)  }
0x6f: {  	s20 =	spop (v2sf)  }
0x70: {  	s26 =	spop (v2sf)  }
0x71: {  	s20 =	sxor.u32 $0x80000000, s20;
	s21 =	sxor.u32 $0x80000000, s26  }
0x72: {  	s28 =	spop (v2sf);
	p0 =	slt.s32 s20, s21  }
0x73: {  	s21 =	smov.u32 @p0 s20;
	s20 =	sxor.u32 $0x80000000, s28  }
0x74: {  	s29 =	spop (v2sf);
	p0 =	slt.s32 s21, s20  }
0x75: {  	s20 =	smov.u32 @p0 s21;
	s21 =	sxor.u32 $0x80000000, s29  }
0x76: {  	s30 =	spop (v2sf);
	p0 =	slt.s32 s20, s21  }
0x77: {  	s21 =	smov.u32 @p0 s20;
	s20 =	sxor.u32 $0x80000000, s30  }
0x78: {  	s31 =	spop (v2sf);
	p0 =	slt.s32 s21, s20  }
0x79: {  	s20 =	smov.u32 @p0 s21;
	s21 =	sxor.u32 $0x80000000, s31  }
0x7a: {  	v6 =	vld [tilespmem:$0x2890];
	p0 =	slt.s32 s20, s21  }
0x7b: {  	v59 =	vld [tilespmem:$0x28A0];
	s21 =	smov.u32 @p0 s20  }
0x7c: {  	v60 =	vld [tilespmem:$0x28B0];
	p0 =	slt.s32 s21, $0x40000000  }
0x7d: {  	v61 =	vld [tilespmem:$0x28C0];
	s21 =	simm.s32 @!p0 $0x40000000  }
0x7e: {  	v63 =	vmov s19;
	v62 =	vld [tilespmem:$0x28D0];
	vm6 =	veq.s32 v12, s21  }
0x7f: {  	vm15 =	veq.s32 v63, v2;
	vm7 =	veq.s32 v6, s21;
	vm0 =	vmand vm9, vm6  }
0x80: {  	vm10 =	veq.s32 v59, s21;
	vm1 =	vmand vm1, vm7;
	v6 =	vsel vm0, $0x7149F2CA, v7  }
0x81: {  	vm12 =	veq.s32 v60, s21;
	vm11 =	vmand vm3, vm10;
	v5 =	vsel vm1, $0x7149F2CA, v5;
	[tilespmem:$0x2800] =	vst v6  }
0x82: {  	vm13 =	veq.s32 v61, s21;
	vm1 =	vmand vm2, vm12;
	v6 =	vsel vm11, $0x7149F2CA, v8;
	[tilespmem:$0x2810] =	vst v5  }
0x83: {  	vm14 =	veq.s32 v62, s21;
	vm0 =	vmand vm4, vm13;
	v5 =	vsel vm1, $0x7149F2CA, v9;
	v7 =	vld [tilespmem:$0x2810];
	[tilespmem:$0x2820] =	vst v6  }
0x84: {  	v3 =	vimm.s32 $0x0;
	vm2 =	vmand vm5, vm14;
	v10 =	vsel vm0, $0x7149F2CA, v10;
	v8 =	vld [tilespmem:$0x2800];
	[tilespmem:$0x2830] =	vst v5  }
0x85: {  	s19 =	simm.s32 $0x1;
	s20 =	simm.s32 $0x2;
	v11 =	vsel vm2, $0x7149F2CA, v11;
	v5 =	vsel vm15, v13, v4;
	v6 =	vsel vm15, s21, v3;
	[tilespmem:$0x2840] =	vst v10;
	v9 =	vld [tilespmem:$0x2820]  }
.LBB2_5:
0x86: {  	p0 =	sne.s32 s20, $0xF;
	v10 =	vld [tilespmem:$0x2830];
	[tilespmem:$0x2850] =	vst v11  }
0x87: {  	v11 =	vld [tilespmem:$0x2840]  }
0x88: {  	v12 =	vld [tilespmem:$0x2850]  }
0x89: {  	v13 =	vmin.f32 v8, v7  }
0x8a: {  	v13 =	vmin.f32 v13, v9  }
0x8b: {  	v13 =	vmin.f32 v13, v10  }
0x8c: {  	v13 =	vmin.f32 v13, v11  }
0x8d: {  	v13 =	vmin.f32 v13, v12  }
0x8e: {  	(xrf0) =	vmin.scan.msk.f32 $0xffff, v13;
	_ =	sdelay $0x3  }
0x8f: {  	v13 =	vld [tilespmem:$0x2880]  }
0x90: {  	v14 =	vld [tilespmem:$0x2890]  }
0x91: {  	v15, _, _ =	vpop (xrf0)  }
0x92: {  	v17 =	vmov s19;
	s19 =	smov.u32 s20;
	v15 =	vbroadcast v15, $0xF;
	v16 =	vld [tilespmem:$0x28A0]  }
0x93: {  	vm0 =	veq.s32 v17, v2  }
0x94: {  	vm1 =	veq.f32 v8, v15;
	v17 =	vxor.u32 $0x80000000, v13;
	v18 =	vld [tilespmem:$0x28B0];
	v5 =	vsel vm0, v15, v5  }
0x95: {  	vm2 =	veq.f32 v7, v15;
	v17 =	vnsel vm1, $0xC0000000, v17;
	v14 =	vxor.u32 $0x80000000, v14  }
0x96: {  	v14 =	vnsel vm2, $0xC0000000, v14;
	v19 =	vld [tilespmem:$0x28C0];
	(xrf0) =	vmin.scan.msk.u32 $0xffff, v17  }
0x97: {  	vm4 =	veq.f32 v9, v15;
	v16 =	vxor.u32 $0x80000000, v16;
	(xrf0) =	vmin.scan.msk.u32 $0xffff, v14  }
0x98: {  	v14 =	vnsel vm4, $0xC0000000, v16;
	v16 =	vld [tilespmem:$0x28D0]  }
0x99: {  	vm3 =	veq.f32 v10, v15;
	v17 =	vxor.u32 $0x80000000, v18;
	(xrf0) =	vmin.scan.msk.u32 $0xffff, v14  }
0x9a: {  	v14 =	vnsel vm3, $0xC0000000, v17  }
0x9b: {  	vm5 =	veq.f32 v11, v15;
	v18 =	vxor.u32 $0x80000000, v19;
	(xrf0) =	vmin.scan.msk.u32 $0xffff, v14  }
0x9c: {  	v14 =	vnsel vm5, $0xC0000000, v18;
	v17, _, _ =	vpop (xrf0)  }
0x9d: {  	vm6 =	veq.f32 v12, v15;
	v18 =	vxor.u32 $0x80000000, v16;
	(v2sf) =	vpush v17, $0xF;
	v16, _, _ =	vpop (xrf0);
	(xrf0) =	vmin.scan.msk.u32 $0xffff, v14  }
0x9e: {  	v14 =	vnsel vm6, $0xC0000000, v18;
	(v2sf) =	vpush v16, $0xF  }
0x9f: {  	v15, _, _ =	vpop (xrf0);
	(xrf0) =	vmin.scan.msk.u32 $0xffff, v14  }
0xa0: {  	(v2sf) =	vpush v15, $0xF  }
0xa1: {  	v14, _, _ =	vpop (xrf0)  }
0xa2: {  	(v2sf) =	vpush v14, $0xF  }
0xa3: {  	v14, _, _ =	vpop (xrf0)  }
0xa4: {  	(v2sf) =	vpush v14, $0xF  }
0xa5: {  	v14, _, _ =	vpop (xrf0)  }
0xa6: {  	(v2sf) =	vpush v14, $0xF;
	_ =	sdelay $0x5  }
0xa7: {  	s21 =	spop (v2sf)  }
0xa8: {  	s22 =	spop (v2sf)  }
0xa9: {  	s21 =	sxor.u32 $0x80000000, s21;
	s22 =	sxor.u32 $0x80000000, s22  }
0xaa: {  	p1 =	slt.s32 s21, s22;
	s23 =	spop (v2sf)  }
0xab: {  	s22 =	smov.u32 @p1 s21;
	s21 =	sxor.u32 $0x80000000, s23  }
0xac: {  	p1 =	slt.s32 s22, s21;
	s23 =	spop (v2sf)  }
0xad: {  	s21 =	smov.u32 @p1 s22;
	s22 =	sxor.u32 $0x80000000, s23  }
0xae: {  	p1 =	slt.s32 s21, s22;
	s23 =	spop (v2sf)  }
0xaf: {  	s22 =	smov.u32 @p1 s21;
	s21 =	sxor.u32 $0x80000000, s23  }
0xb0: {  	p1 =	slt.s32 s22, s21;
	v14 =	vld [tilespmem:$0x2890];
	s23 =	spop (v2sf)  }
0xb1: {  	s21 =	smov.u32 @p1 s22;
	s22 =	sxor.u32 $0x80000000, s23;
	v15 =	vld [tilespmem:$0x28A0]  }
0xb2: {  	p1 =	slt.s32 s21, s22;
	v16 =	vld [tilespmem:$0x28B0]  }
0xb3: {  	s22 =	smov.u32 @p1 s21;
	v17 =	vld [tilespmem:$0x28C0]  }
0xb4: {  	p1 =	slt.s32 s22, $0x40000000;
	v18 =	vld [tilespmem:$0x28D0]  }
0xb5: {  	s22 =	simm.s32 @!p1 $0x40000000  }
0xb6: {  	vm7 =	veq.s32 v13, s22;
	vm8 =	veq.s32 v14, s22;
	vm9 =	veq.s32 v15, s22  }
0xb7: {  	vm1 =	vmand vm1, vm7;
	vm2 =	vmand vm2, vm8;
	vm4 =	vmand vm4, vm9  }
0xb8: {  	v8 =	vsel vm1, $0x7149F2CA, v8;
	v7 =	vsel vm2, $0x7149F2CA, v7;
	v9 =	vsel vm4, $0x7149F2CA, v9  }
.Ltmp1:
0xb9: {  	vm1 =	veq.s32 v16, s22;
	vm2 =	veq.s32 v17, s22;
	[tilespmem:$0x2800] =	vst v8;
	vm4 =	veq.s32 v18, s22;
	(pc) =	sbr.rel @p0 .LBB2_5-.Ltmp1, $4  }
0xba: {  	vm1 =	vmand vm3, vm1;
	vm2 =	vmand vm5, vm2;
	[tilespmem:$0x2810] =	vst v7;
	vm3 =	vmand vm6, vm4  }
0xbb: {  	v7 =	vld [tilespmem:$0x2810];
	[tilespmem:$0x2820] =	vst v9;
	v9 =	vsel vm1, $0x7149F2CA, v10;
	v10 =	vsel vm2, $0x7149F2CA, v11;
	v11 =	vsel vm3, $0x7149F2CA, v12  }
0xbc: {  	v6 =	vsel vm0, s22, v6;
	v8 =	vld [tilespmem:$0x2800];
	[tilespmem:$0x2830] =	vst v9  }
0xbd: {  	s20 =	sadd.s32 $0x1, s20;
	v9 =	vld [tilespmem:$0x2820];
	[tilespmem:$0x2840] =	vst v10  }
0xbe: {  	v10 =	vld [tilespmem:$0x2830]  }
0xbf: {  	[tilespmem:$0x2850] =	vst v11;
	v13 =	vld [tilespmem:$0x2840]  }
0xc0: {  	v14 =	vld [tilespmem:$0x2850]  }
0xc1: {  	v11 =	vmin.f32 v8, v7  }
0xc2: {  	v11 =	vmin.f32 v11, v9  }
0xc3: {  	v11 =	vmin.f32 v11, v10  }
0xc4: {  	v11 =	vmin.f32 v11, v13  }
0xc5: {  	v11 =	vmin.f32 v11, v14  }
0xc6: {  	(xrf0) =	vmin.scan.msk.f32 $0xffff, v11;
	_ =	sdelay $0x3  }
0xc7: {  	v11 =	vld [tilespmem:$0x2880]  }
0xc8: {  	v12 =	vld [tilespmem:$0x2890]  }
0xc9: {  	v16 =	vld [tilespmem:$0x28A0];
	v15, _, _ =	vpop (xrf0)  }
0xca: {  	v15 =	vbroadcast v15, $0xF  }
0xcb: {  	v18 =	vld [tilespmem:$0x28B0]  }
0xcc: {  	v19 =	vld [tilespmem:$0x28C0];
	v17 =	vxor.u32 $0x80000000, v11;
	vm0 =	veq.f32 v8, v15  }
0xcd: {  	v12 =	vxor.u32 $0x80000000, v12;
	vm1 =	veq.f32 v7, v15;
	v17 =	vnsel vm0, $0xC0000000, v17  }
0xce: {  	v16 =	vxor.u32 $0x80000000, v16;
	vm3 =	veq.f32 v9, v15;
	v12 =	vnsel vm1, $0xC0000000, v12;
	(xrf0) =	vmin.scan.msk.u32 $0xffff, v17  }
0xcf: {  	(xrf0) =	vmin.scan.msk.u32 $0xffff, v12;
	v12 =	vnsel vm3, $0xC0000000, v16;
	v16 =	vld [tilespmem:$0x28D0]  }
0xd0: {  	vm2 =	veq.f32 v10, v15;
	v17 =	vxor.u32 $0x80000000, v18  }
0xd1: {  	(xrf0) =	vmin.scan.msk.u32 $0xffff, v12;
	v12 =	vnsel vm2, $0xC0000000, v17;
	v17 =	vxor.u32 $0x80000000, v19;
	_ =	sdelay $0x1  }
0xd2: {  	vm4 =	veq.f32 v13, v15;
	(xrf0) =	vmin.scan.msk.u32 $0xffff, v12  }
0xd3: {  	v12 =	vnsel vm4, $0xC0000000, v17;
	v17, _, _ =	vpop (xrf0);
	v16 =	vxor.u32 $0x80000000, v16  }
0xd4: {  	vm5 =	veq.f32 v14, v15;
	(v2sf) =	vpush v17, $0xF;
	v17, _, _ =	vpop (xrf0);
	(xrf0) =	vmin.scan.msk.u32 $0xffff, v12  }
0xd5: {  	v12 =	vnsel vm5, $0xC0000000, v16;
	(v2sf) =	vpush v17, $0xF  }
0xd6: {  	v16, _, _ =	vpop (xrf0);
	(xrf0) =	vmin.scan.msk.u32 $0xffff, v12  }
0xd7: {  	(v2sf) =	vpush v16, $0xF  }
0xd8: {  	v12, _, _ =	vpop (xrf0)  }
0xd9: {  	(v2sf) =	vpush v12, $0xF  }
0xda: {  	v12, _, _ =	vpop (xrf0)  }
0xdb: {  	(v2sf) =	vpush v12, $0xF  }
0xdc: {  	v12, _, _ =	vpop (xrf0)  }
0xdd: {  	(v2sf) =	vpush v12, $0xF;
	_ =	sdelay $0x5  }
0xde: {  	s20 =	spop (v2sf)  }
0xdf: {  	s21 =	spop (v2sf)  }
0xe0: {  	s20 =	sxor.u32 $0x80000000, s20;
	s21 =	sxor.u32 $0x80000000, s21  }
0xe1: {  	p0 =	slt.s32 s20, s21;
	s22 =	spop (v2sf)  }
0xe2: {  	s21 =	smov.u32 @p0 s20;
	s20 =	sxor.u32 $0x80000000, s22  }
0xe3: {  	s31 =	spop (v2sf);
	p0 =	slt.s32 s21, s20  }
0xe4: {  	s20 =	smov.u32 @p0 s21;
	s21 =	sxor.u32 $0x80000000, s31  }
0xe5: {  	p0 =	slt.s32 s20, s21;
	s23 =	spop (v2sf)  }
0xe6: {  	s21 =	smov.u32 @p0 s20;
	s22 =	sxor.u32 $0x80000000, s23  }
0xe7: {  	p0 =	slt.s32 s21, s22;
	s24 =	spop (v2sf)  }
0xe8: {  	v12 =	vld [tilespmem:$0x2890];
	s22 =	smov.u32 @p0 s21;
	s20 =	sxor.u32 $0x80000000, s24  }
0xe9: {  	v16 =	vld [tilespmem:$0x28A0];
	p0 =	slt.s32 s22, s20  }
0xea: {  	v18 =	vld [tilespmem:$0x28C0];
	s20 =	smov.u32 @p0 s22  }
0xeb: {  	v17 =	vld [tilespmem:$0x28B0];
	p0 =	slt.s32 s20, $0x40000000  }
0xec: {  	v19 =	vld [tilespmem:$0x28D0];
	s20 =	simm.s32 @!p0 $0x40000000  }
0xed: {  	vm6 =	veq.s32 v11, s20;
	vm7 =	veq.s32 v12, s20  }
0xee: {  	vm8 =	veq.s32 v16, s20;
	vm0 =	vmand vm0, vm6;
	vm1 =	vmand vm1, vm7  }
0xef: {  	vm3 =	vmand vm3, vm8;
	v12 =	vsel vm0, $0x7149F2CA, v8;
	v11 =	vsel vm1, $0x7149F2CA, v7  }
0xf0: {  	v7 =	vsel vm3, $0x7149F2CA, v9;
	vm0 =	veq.s32 v17, s20;
	vm1 =	veq.s32 v18, s20  }
0xf1: {  	vm3 =	veq.s32 v19, s20;
	vm0 =	vmand vm2, vm0;
	v8 =	vmin.f32 v12, v11  }
0xf2: {  	vm1 =	vmand vm4, vm1;
	v9 =	vsel vm0, $0x7149F2CA, v10;
	v8 =	vmin.f32 v8, v7  }
0xf3: {  	vm0 =	vmand vm5, vm3;
	v10 =	vsel vm1, $0x7149F2CA, v13;
	v13 =	vmin.f32 v8, v9  }
0xf4: {  	v8 =	vsel vm0, $0x7149F2CA, v14;
	v13 =	vmin.f32 v13, v10  }
0xf5: {  	v13 =	vmin.f32 v13, v8  }
0xf6: {  	(xrf0) =	vmin.scan.msk.f32 $0xffff, v13;
	_ =	sdelay $0x3  }
0xf7: {  	v14 =	vld [tilespmem:$0x2890]  }
0xf8: {  	v13 =	vld [tilespmem:$0x2880]  }
0xf9: {  	v16, _, _ =	vpop (xrf0)  }
0xfa: {  	v17 =	vld [tilespmem:$0x28A0];
	v19 =	vbroadcast v16, $0xF  }
0xfb: {  	v20 =	vld [tilespmem:$0x28C0]  }
0xfc: {  	v14 =	vxor.u32 $0x80000000, v14;
	v16 =	vld [tilespmem:$0x28B0];
	vm1 =	veq.f32 v11, v19  }
0xfd: {  	v18 =	vxor.u32 $0x80000000, v13;
	vm2 =	veq.f32 v12, v19;
	v14 =	vnsel vm1, $0xC0000000, v14  }
0xfe: {  	v18 =	vnsel vm2, $0xC0000000, v18;
	(xrf0) =	vmin.scan.msk.u32 $0xffff, v14  }
0xff: {  	vm0 =	veq.f32 v7, v19;
	v14 =	vxor.u32 $0x80000000, v17;
	(xrf0) =	vmin.scan.msk.u32 $0xffff, v18  }
0x100: {  	v17 =	vld [tilespmem:$0x28D0];
	v14 =	vnsel vm0, $0xC0000000, v14  }
0x101: {  	vm4 =	veq.f32 v9, v19;
	(xrf0) =	vmin.scan.msk.u32 $0xffff, v14;
	v14 =	vxor.u32 $0x80000000, v16;
	v16 =	vxor.u32 $0x80000000, v20  }
0x102: {  	v14 =	vnsel vm4, $0xC0000000, v14  }
0x103: {  	vm3 =	veq.f32 v10, v19;
	(xrf0) =	vmin.scan.msk.u32 $0xffff, v14  }
0x104: {  	v14 =	vnsel vm3, $0xC0000000, v16;
	v16, _, _ =	vpop (xrf0)  }
0x105: {  	vm5 =	veq.f32 v8, v19;
	v17 =	vxor.u32 $0x80000000, v17;
	(xrf0) =	vmin.scan.msk.u32 $0xffff, v14;
	v18, _, _ =	vpop (xrf0);
	(v2sf) =	vpush v16, $0xF  }
0x106: {  	v14 =	vnsel vm5, $0xC0000000, v17;
	(v2sf) =	vpush v18, $0xF  }
0x107: {  	(xrf0) =	vmin.scan.msk.u32 $0xffff, v14;
	v16, _, _ =	vpop (xrf0)  }
0x108: {  	(v2sf) =	vpush v16, $0xF  }
0x109: {  	v14, _, _ =	vpop (xrf0)  }
0x10a: {  	(v2sf) =	vpush v14, $0xF  }
0x10b: {  	v14, _, _ =	vpop (xrf0)  }
0x10c: {  	(v2sf) =	vpush v14, $0xF  }
0x10d: {  	v14, _, _ =	vpop (xrf0)  }
0x10e: {  	(v2sf) =	vpush v14, $0xF;
	_ =	sdelay $0x5  }
0x10f: {  	s25 =	spop (v2sf)  }
0x110: {  	s26 =	spop (v2sf)  }
0x111: {  	s21 =	sxor.u32 $0x80000000, s25;
	s22 =	sxor.u32 $0x80000000, s26  }
0x112: {  	s23 =	spop (v2sf);
	p0 =	slt.s32 s22, s21  }
0x113: {  	s21 =	smov.u32 @p0 s22;
	s22 =	sxor.u32 $0x80000000, s23  }
0x114: {  	s28 =	spop (v2sf);
	p0 =	slt.s32 s21, s22  }
0x115: {  	s22 =	smov.u32 @p0 s21;
	s21 =	sxor.u32 $0x80000000, s28  }
0x116: {  	s29 =	spop (v2sf);
	p0 =	slt.s32 s22, s21  }
0x117: {  	s21 =	smov.u32 @p0 s22;
	s22 =	sxor.u32 $0x80000000, s29  }
0x118: {  	[tilespmem:$0x2800] =	vst v12;
	s30 =	spop (v2sf);
	p0 =	slt.s32 s21, s22  }
0x119: {  	[tilespmem:$0x2810] =	vst v11;
	v17 =	vld [tilespmem:$0x2890];
	s22 =	smov.u32 @p0 s21;
	s21 =	sxor.u32 $0x80000000, s30  }
0x11a: {  	s31 =	simm.s32 $0x0;
	[tilespmem:$0x2820] =	vst v7;
	v18 =	vmov s19;
	v16 =	vld [tilespmem:$0x28D0];
	p0 =	slt.s32 s22, s21  }
0x11b: {  	[tilespmem:$0x2830] =	vst v9;
	v20 =	vmov s31;
	vm7 =	veq.s32 v18, v2;
	v18 =	vld [tilespmem:$0x28A0];
	s21 =	smov.u32 @p0 s22  }
0x11c: {  	[tilespmem:$0x2840] =	vst v10;
	vm6 =	veq.s32 v20, v2;
	v15 =	vsel vm7, v15, v5;
	v5 =	vsel vm7, s20, v6;
	v6 =	vld [tilespmem:$0x28B0];
	p0 =	slt.s32 s21, $0x40000000  }
0x11d: {  	[tilespmem:$0x2850] =	vst v8;
	v4 =	vsel vm6, v19, v4;
	s19 =	simm.s32 $0x1;
	v14 =	vld [tilespmem:$0x28C0];
	s21 =	simm.s32 @!p0 $0x40000000  }
.LBB2_7:
0x11e: {  	v19 =	vld [tilespmem:$0x28C0];
	p0 =	sne.s32 s19, $0xF;
	vm7 =	veq.s32 v13, s21;
	vm8 =	veq.s32 v17, s21;
	s20 =	smov.u32 s19;
	s19 =	sadd.s32 $0x1, s19  }
0x11f: {  	vm2 =	vmand vm2, vm7;
	vm1 =	vmand vm1, vm8  }
0x120: {  	v12 =	vsel vm2, $0x7149F2CA, v12;
	v11 =	vsel vm1, $0x7149F2CA, v11  }
0x121: {  	v13 =	vmin.f32 v12, v11;
	[tilespmem:$0x2800] =	vst v12;
	vm1 =	veq.s32 v18, s21  }
0x122: {  	vm2 =	veq.s32 v16, s21;
	[tilespmem:$0x2810] =	vst v11;
	vm0 =	vmand vm0, vm1;
	vm1 =	veq.s32 v6, s21  }
0x123: {  	v7 =	vsel vm0, $0x7149F2CA, v7;
	vm0 =	vmand vm4, vm1;
	vm1 =	veq.s32 v14, s21;
	v14 =	vmovc v19  }
0x124: {  	v6 =	vmin.f32 v13, v7;
	[tilespmem:$0x2820] =	vst v7;
	v9 =	vsel vm0, $0x7149F2CA, v9;
	vm0 =	vmand vm3, vm1  }
0x125: {  	v6 =	vmin.f32 v6, v9;
	[tilespmem:$0x2830] =	vst v9;
	v10 =	vsel vm0, $0x7149F2CA, v10;
	vm0 =	vmand vm5, vm2  }
0x126: {  	v6 =	vmin.f32 v6, v10;
	[tilespmem:$0x2840] =	vst v10;
	v8 =	vsel vm0, $0x7149F2CA, v8  }
0x127: {  	v3 =	vsel vm6, s21, v3;
	v6 =	vmin.f32 v6, v8;
	[tilespmem:$0x2850] =	vst v8  }
0x128: {  	(xrf0) =	vmin.scan.msk.f32 $0xffff, v6;
	_ =	sdelay $0x2  }
0x129: {  	v6 =	vld [tilespmem:$0x2890]  }
0x12a: {  	v13 =	vld [tilespmem:$0x2880]  }
0x12b: {  	v16 =	vld [tilespmem:$0x28A0]  }
0x12c: {  	v17, _, _ =	vpop (xrf0)  }
0x12d: {  	v17 =	vbroadcast v17, $0xF  }
0x12e: {  	v18 =	vmov s20;
	v6 =	vxor.u32 $0x80000000, v6  }
0x12f: {  	vm6 =	veq.s32 v18, v2;
	vm2 =	veq.f32 v12, v17;
	vm1 =	veq.f32 v11, v17;
	v19 =	vld [tilespmem:$0x28B0]  }
0x130: {  	v18 =	vxor.u32 $0x80000000, v13;
	vm0 =	veq.f32 v7, v17;
	v6 =	vnsel vm1, $0xC0000000, v6  }
0x131: {  	v4 =	vsel vm6, v17, v4;
	v18 =	vnsel vm2, $0xC0000000, v18;
	v16 =	vxor.u32 $0x80000000, v16;
	v20 =	vld [tilespmem:$0x28C0];
	(xrf0) =	vmin.scan.msk.u32 $0xffff, v6  }
0x132: {  	v6 =	vnsel vm0, $0xC0000000, v16;
	(xrf0) =	vmin.scan.msk.u32 $0xffff, v18  }
0x133: {  	v16 =	vld [tilespmem:$0x28D0];
	(xrf0) =	vmin.scan.msk.u32 $0xffff, v6  }
0x134: {  	vm4 =	veq.f32 v9, v17;
	v6 =	vxor.u32 $0x80000000, v19  }
0x135: {  	v6 =	vnsel vm4, $0xC0000000, v6  }
0x136: {  	vm3 =	veq.f32 v10, v17;
	v19 =	vxor.u32 $0x80000000, v20;
	(xrf0) =	vmin.scan.msk.u32 $0xffff, v6  }
0x137: {  	v6 =	vnsel vm3, $0xC0000000, v19;
	v18, _, _ =	vpop (xrf0)  }
0x138: {  	vm5 =	veq.f32 v8, v17;
	v19 =	vxor.u32 $0x80000000, v16;
	v17, _, _ =	vpop (xrf0);
	(v2sf) =	vpush v18, $0xF;
	(xrf0) =	vmin.scan.msk.u32 $0xffff, v6  }
0x139: {  	v6 =	vnsel vm5, $0xC0000000, v19;
	(v2sf) =	vpush v17, $0xF;
	v16, _, _ =	vpop (xrf0)  }
0x13a: {  	(v2sf) =	vpush v16, $0xF;
	(xrf0) =	vmin.scan.msk.u32 $0xffff, v6;
	_ =	sdelay $0x1  }
0x13b: {  	v6, _, _ =	vpop (xrf0)  }
0x13c: {  	(v2sf) =	vpush v6, $0xF  }
0x13d: {  	v6, _, _ =	vpop (xrf0)  }
0x13e: {  	(v2sf) =	vpush v6, $0xF  }
0x13f: {  	v6, _, _ =	vpop (xrf0)  }
0x140: {  	(v2sf) =	vpush v6, $0xF;
	_ =	sdelay $0x5  }
0x141: {  	s20 =	spop (v2sf)  }
0x142: {  	s21 =	spop (v2sf)  }
0x143: {  	s20 =	sxor.u32 $0x80000000, s20;
	s21 =	sxor.u32 $0x80000000, s21;
	s22 =	spop (v2sf)  }
0x144: {  	p1 =	slt.s32 s21, s20  }
0x145: {  	s20 =	smov.u32 @p1 s21;
	s21 =	sxor.u32 $0x80000000, s22  }
0x146: {  	p1 =	slt.s32 s20, s21;
	s22 =	spop (v2sf)  }
0x147: {  	s21 =	smov.u32 @p1 s20;
	s20 =	sxor.u32 $0x80000000, s22  }
0x148: {  	p1 =	slt.s32 s21, s20;
	s22 =	spop (v2sf)  }
0x149: {  	s20 =	smov.u32 @p1 s21;
	s22 =	sxor.u32 $0x80000000, s22  }
0x14a: {  	p1 =	slt.s32 s20, s22;
	s21 =	spop (v2sf)  }
.Ltmp2:
0x14b: {  	s22 =	smov.u32 @p1 s20;
	s21 =	sxor.u32 $0x80000000, s21;
	v17 =	vld [tilespmem:$0x2890];
	(pc) =	sbr.rel @p0 .LBB2_7-.Ltmp2, $4  }
0x14c: {  	p1 =	slt.s32 s22, s21  }
0x14d: {  	s21 =	smov.u32 @p1 s22;
	v16 =	vld [tilespmem:$0x28D0]  }
0x14e: {  	p1 =	slt.s32 s21, $0x40000000;
	v18 =	vld [tilespmem:$0x28A0]  }
0x14f: {  	s21 =	simm.s32 @!p1 $0x40000000;
	v6 =	vld [tilespmem:$0x28B0]  }
0x150: {  	[tilespmem:$0x2900] =	vst v15  }
0x151: {  	vm7 =	veq.s32 v13, s21;
	[tilespmem:$0x2910] =	vst v4  }
0x152: {  	vm8 =	veq.s32 v17, s21;
	v3 =	vsel vm6, s21, v3;
	[tilespmem:$0x2980] =	vst v5;
	vm2 =	vmand vm2, vm7  }
0x153: {  	vm12 =	veq.s32 v14, s21;
	vm1 =	vmand vm1, vm8;
	[tilespmem:$0x2990] =	vst v3;
	v12 =	vsel vm2, $0x7149F2CA, v12  }
0x154: {  	vm14 =	vmand vm3, vm12;
	v11 =	vsel vm1, $0x7149F2CA, v11;
	vm13 =	veq.s32 v16, s21;
	[tilespmem:$0x2800] =	vst v12  }
0x155: {  	v62 =	vsel vm14, $0x7149F2CA, v10;
	vm9 =	veq.s32 v18, s21;
	[tilespmem:$0x2810] =	vst v11;
	vm15 =	vmand vm5, vm13  }
0x156: {  	s17 =	sshll.u32 s17, $0xA;
	[tilespmem:$0x2840] =	vst v62;
	vm0 =	vmand vm0, vm9;
	vm10 =	veq.s32 v6, s21;
	v63 =	vsel vm15, $0x7149F2CA, v8  }
0x157: {  	s17 =	sor.u32 s18, s17;
	v60 =	vsel vm0, $0x7149F2CA, v7;
	vm11 =	vmand vm4, vm10;
	[tilespmem:$0x2850] =	vst v63  }
0x158: {  	s17 =	sshrl.u32 s17, $0x3;
	[tilespmem:$0x2820] =	vst v60;
	v61 =	vsel vm11, $0x7149F2CA, v9  }
0x159: {  	s31 =	sadd.s32 s4, s17;
	[tilespmem:$0x2830] =	vst v61  }
0x15a: {  	[hbm4b:s31+s2] =	stream.linear.scatter [tilespmem:s13], [sflag:$0x1], $0x80, $0x38;
	[tilespmem:$0x2A00] =	vst v63  }
0x15b: {  	s16 =	sadd.s32 $0x1, s16;
	_ =	swait.ge [sflag:s10], $0x80  }
0x15c: {  	p0 =	sne.s32 s16, $0x140;
	[sflag:s10] =	ssyncset.done $0x0  }
.Ltmp3:
0x15d: {  	s17 =	sadd.s32 s5, s17;
	[sflag:s10] =	ssyncadd.s32 $0xFFFFFF80;
	(pc) =	sbr.rel @p0 .LBB2_2-.Ltmp3, $4  }
0x15e: {  	[hbm4b:s17+s2] =	stream.linear.scatter [tilespmem:s14], [sflag:$0x1], $0x80, $0x38;
	[tilespmem:$0x2A00] =	vst v63  }
0x15f: {  	_ =	swait.ge [sflag:s10], $0x80  }
0x160: {  	[sflag:s10] =	ssyncset.done $0x0  }
0x161: {  	[sflag:s10] =	ssyncadd.s32 $0xFFFFFF80  }
0x162: {  	s15 =	sadd.s32 $0x1, s15  }
0x163: {  	p0 =	sne.s32 s15, s7  }
.Ltmp4:
0x164: {  	_ = 	snop;
	(pc) =	sbr.rel @p0 .LBB2_1-.Ltmp4, $1  }
0x165: {  	_ =	sdelay $0x3  }
0x166: {  	_ =	sfence.sel $0x180000  }
0x167: {  	[bflag:$0x0] =	sbarrier.arrive $0xFFFF  }
0x168: {  	p0 =	sne.s32 s1, $0x0;
	_ =	strace $0x90000047  }
0x169: {  	s0 =	sadd.s32 @!p0 $0x100000, s0;
	[bflag:$0x2] =	sbarrier.arrive $0xFFFF  }
0x16a: {  	[sflag:s0] =	ssyncadd.tile.s32 @!p0 $0x1;
	_ =	shalt  }
.Lfunc_end2:
_tile_overlayer_lowered:
.L_overlay_start_2:
0x16b: {  	(tag) =	ssettag $0x2  }
0x16c: {  	s0 =	rddreg [dreg:$0x0];
	s2 =	stileid.u32  }
0x16d: {  	s1 =	rddreg [dreg:$0x1];
	p0 =	sne.s32 s2, $0x0  }
0x16e: {  	s3 =	rddreg [dreg:$0x2];
	[bflag:$0x3] =	sbarrier.arrive $0xFFFF;
	s2 =	simm.s32 @!p0 $0x1C01  }
0x16f: {  	[timem:s3], [sflag:s2] =	dma.local @!p0 [hbm:s0], s1  }
0x170: {  	s0 =	simm.s32 @!p0 $0x1  }
0x171: {  	_ =	swait.ge @!p0 [sflag:s0], s1  }
0x172: {  	s1 =	ssub.s32 @!p0 $0x0, s1;
	[sflag:s0] =	ssyncset.done @!p0 $0x0  }
0x173: {  	[sflag:s0] =	ssyncadd.s32 @!p0 s1  }
0x174: {  	[bflag:$0x3] =	sbarrier.arrive $0xFFFF  }
0x175: {  	_ =	shalt  }

</sc_bundles>
